<compile_context>
chip_gen: v7x
topology: tpu7x:2x2x1
jax: 0.10.2.dev20260603
libtpu: 0.0.44.dev20260713+nightly
codegen_flags: <defaults>
</compile_context>

<pallas_src>
import functools

import jax
import jax.numpy as jnp
from jax import lax
from jax.experimental import pallas as pl
from jax.experimental.pallas import tpu as pltpu
from jax.experimental.pallas import tpu_sc as plsc

_B, _D, _T = 16, 256, 576
_K = 8192
_KB = 2048
_NKB = _K // _KB
_GB = 8
_NBG = _B // _GB

_NW = 32
_RPW = (_B * _T) // _NW
_CHUNK = 96
_NCHUNK = _RPW // _CHUNK


def _argmin_body(z_ref, emb_ref, idx_ref,
                 minv_ref, mini_ref, znorm_ref, en_ref):
    bg = pl.program_id(0)
    kb = pl.program_id(1)

    @pl.when(bg == 0)
    def _():
        emb = emb_ref[...]
        en_ref[kb] = jnp.sum(emb * emb, axis=1, keepdims=True)

    @pl.when(kb == 0)
    def _():
        for i in range(_GB):
            zb = z_ref[i]
            znorm_ref[i] = jnp.sum(zb * zb, axis=0, keepdims=True)

    kbase = (kb * _KB).astype(jnp.float32)
    enorm = en_ref[kb]
    emb2 = emb_ref[...] + emb_ref[...]
    for i in range(_GB):
        zb = z_ref[i]
        s2 = jax.lax.dot_general(emb2, zb, (((1,), (0,)), ((), ())),
                                 preferred_element_type=jnp.float32)
        d = (znorm_ref[i] + enorm) - s2
        bmin = jnp.min(d, axis=0, keepdims=True)
        bidxf = jnp.argmin(d, axis=0).astype(jnp.float32)[None, :]

        @pl.when(kb == 0)
        def _():
            minv_ref[i] = bmin
            mini_ref[i] = bidxf

        @pl.when(kb > 0)
        def _():
            better = bmin < minv_ref[i]
            minv_ref[i] = jnp.where(better, bmin, minv_ref[i])
            mini_ref[i] = jnp.where(better, bidxf + kbase, mini_ref[i])

    @pl.when(kb == _NKB - 1)
    def _():
        for i in range(_GB):
            idx_ref[i] = mini_ref[i].astype(jnp.int32)


_sc_mesh = plsc.VectorSubcoreMesh(core_axis_name="c", subcore_axis_name="s")


@functools.partial(
    pl.kernel,
    mesh=_sc_mesh,
    out_type=jax.ShapeDtypeStruct((_B * _T, _D), jnp.float32),
    scratch_types=[
        pltpu.VMEM((_T,), jnp.int32),
        pltpu.VMEM((_RPW, _D), jnp.float32),
        pltpu.SemaphoreType.DMA,
        pltpu.SemaphoreType.DMA,
    ],
)
def _sc_gather(idx_hbm, table_hbm, out_hbm, idx_v, rows_v, gsem, osem):
    wid = lax.axis_index("s") * 2 + lax.axis_index("c")
    b = wid // 2
    half = wid % 2
    pltpu.sync_copy(idx_hbm.at[b, 0, :], idx_v)
    off = half * _RPW
    gathers = [
        pltpu.async_copy(table_hbm.at[idx_v.at[pl.ds(off + j * _CHUNK, _CHUNK)]],
                         rows_v.at[pl.ds(j * _CHUNK, _CHUNK)], gsem)
        for j in range(_NCHUNK)
    ]
    outs = []
    base = wid * _RPW
    for j in range(_NCHUNK):
        gathers[j].wait()
        outs.append(pltpu.async_copy(
            rows_v.at[pl.ds(j * _CHUNK, _CHUNK)],
            out_hbm.at[pl.ds(base + j * _CHUNK, _CHUNK)], osem))
    for cp in outs:
        cp.wait()


def _transpose_body(in_ref, out_ref):
    out_ref[0] = in_ref[0].T


def kernel(z, embedding):
    idx = pl.pallas_call(
        _argmin_body,
        grid=(_NBG, _NKB),
        in_specs=[pl.BlockSpec((_GB, _D, _T), lambda g, k: (g, 0, 0)),
                  pl.BlockSpec((_KB, _D), lambda g, k: (k, 0))],
        out_specs=pl.BlockSpec((_GB, 1, _T), lambda g, k: (g, 0, 0)),
        out_shape=jax.ShapeDtypeStruct((_B, 1, _T), jnp.int32),
        scratch_shapes=[pltpu.VMEM((_GB, 1, _T), jnp.float32),
                        pltpu.VMEM((_GB, 1, _T), jnp.float32),
                        pltpu.VMEM((_GB, 1, _T), jnp.float32),
                        pltpu.VMEM((_NKB, _KB, 1), jnp.float32)],
    )(z, embedding)
    zq_flat = _sc_gather(idx, embedding)
    zq = zq_flat.reshape(_B, _T, _D)
    out = pl.pallas_call(
        _transpose_body,
        grid=(_B,),
        in_specs=[pl.BlockSpec((1, _T, _D), lambda b: (b, 0, 0))],
        out_specs=pl.BlockSpec((1, _D, _T), lambda b: (b, 0, 0)),
        out_shape=jax.ShapeDtypeStruct((_B, _D, _T), jnp.float32),
    )(zq)
    return out

# --- scband reference (transcript-rebuilt; emitter-appended) ---
"""Pipeline reference for scband-cdvector-quantizer-12945031430911 (READ-ONLY COPY).

The authoritative reference and input builder live on the scoring server;
editing this copy changes nothing except your own understanding.
"""

import jax, jax.numpy as jnp
import numpy as np

B, D, T = 16, 256, 576
Z_NUM = 8192

def setup_inputs(seed: int = 0) -> dict:
    key = jax.random.key(seed)
    k1, k2 = jax.random.split(key)
    z = jax.random.normal(k1, (B, D, T), dtype=jnp.float32)
    # learned codebook parameter, sized per init_kwargs (z_num, z_dim), torch default randn init
    embedding = jax.random.normal(k2, (Z_NUM, D), dtype=jnp.float32)
    return {"z": z, "embedding": embedding}

def reference(z, embedding):
    # CDVectorQuantizer.forward in eval mode, ref='mean', time_last=True,
    # normalize=False (target_norm is None), single-tensor z (wrapped into list of 1).
    # z_norm = [z]; z_ref = mean over the single-element list = z
    z_ref = jnp.transpose(z, (0, 2, 1))  # time_last: [B, D, T] -> [B, T, D]
    z_shape = z_ref.shape
    z_flat = z_ref.reshape(-1, z_shape[2])  # [B*T, D]
    distances = (jnp.sum(z_flat ** 2, axis=1, keepdims=True)
                 + jnp.sum(embedding ** 2, axis=1)
                 - 2.0 * jnp.matmul(z_flat, embedding.T))  # [B*T, K]
    encoding_idx = jnp.argmin(distances, axis=1)  # [B*T]
    z_vq = jnp.take(embedding, encoding_idx, axis=0).reshape(z_shape)  # [B, T, D]
    z_vq = jnp.transpose(z_vq, (0, 2, 1))  # back to [B, D, T]
    return z_vq

if __name__ == "__main__":
    import jax
    _d = setup_inputs()
    print(jax.jit(kernel)(*tuple(_d.values())))

</pallas_src>

<mosaic_0001>
#map = affine_map<(d0, d1) -> (0, 0, 0)>
#map1 = affine_map<(d0, d1) -> (0, 0)>
module attributes {stable_mosaic.version = 14 : i64} {
  func.func @_sc_gather(%arg0: i32, %arg1: i32, %arg2: memref<16x1x576xi32, #tpu.memory_space<hbm>>, %arg3: memref<8192x256xf32, #tpu.memory_space<hbm>>, %arg4: memref<9216x256xf32, #tpu.memory_space<hbm>>, %arg5: memref<576xi32, #tpu.memory_space<vmem>>, %arg6: memref<288x256xf32, #tpu.memory_space<vmem>>, %arg7: memref<!tpu.dma_semaphore, #tpu.memory_space<semaphore_mem>>, %arg8: memref<!tpu.dma_semaphore, #tpu.memory_space<semaphore_mem>>) attributes {dimension_semantics = [#tpu.dimension_semantics<core_parallel>, #tpu.dimension_semantics<subcore_parallel>], iteration_bounds = array<i64: 2, 16>, scalar_prefetch = 0 : i64, scratch_operands = 4 : i64, tpu.core_type = #tpu.core_type<sc_vector_subcore>, window_params = [{transform_indices = #map}, {transform_indices = #map1}, {transform_indices = #map1}]} {
    %mul3A = arith.constant 2 : i32
    %mul3A_0 = arith.muli %arg1, %mul3A : i32
    %add3A = arith.addi %mul3A_0, %arg0 : i32
    %jit3A = arith.constant 2 : i32
    %div3A = arith.divsi %add3A, %jit3A : i32
    %sign3A = arith.constant 0 : i32
    %sign3A_1 = arith.cmpi sgt, %add3A, %sign3A : i32
    %sign3A_2 = arith.extui %sign3A_1 : i1 to i32
    %sign3A_3 = arith.constant 0 : i32
    %sign3A_4 = arith.cmpi slt, %add3A, %sign3A_3 : i32
    %sign3A_5 = arith.extui %sign3A_4 : i1 to i32
    %sign3A_6 = arith.subi %sign3A_2, %sign3A_5 : i32
    %sign3A_7 = arith.constant 0 : i32
    %sign3A_8 = arith.cmpi sgt, %jit3A, %sign3A_7 : i32
    %sign3A_9 = arith.extui %sign3A_8 : i1 to i32
    %sign3A_10 = arith.constant 0 : i32
    %sign3A_11 = arith.cmpi slt, %jit3A, %sign3A_10 : i32
    %sign3A_12 = arith.extui %sign3A_11 : i1 to i32
    %sign3A_13 = arith.subi %sign3A_9, %sign3A_12 : i32
    %ne3A = arith.cmpi ne, %sign3A_6, %sign3A_13 : i32
    %rem3A = arith.remsi %add3A, %jit3A : i32
    %ne3A_14 = arith.constant 0 : i32
    %ne3A_15 = arith.cmpi ne, %rem3A, %ne3A_14 : i32
    %and3A = arith.andi %ne3A, %ne3A_15 : i1
    %sub3A = arith.constant 1 : i32
    %sub3A_16 = arith.subi %div3A, %sub3A : i32
    %select_n3A = arith.select %and3A, %sub3A_16, %div3A : i32
    %jit3A_17 = arith.constant 2 : i32
    %eq3A = arith.constant 0 : i32
    %eq3A_18 = arith.cmpi eq, %jit3A_17, %eq3A : i32
    %jit3A_19 = arith.constant 1 : i32
    %select_n3A_20 = arith.select %eq3A_18, %jit3A_19, %jit3A_17 : i32
    %rem3A_21 = arith.remsi %add3A, %select_n3A_20 : i32
    %ne3A_22 = arith.constant 0 : i32
    %ne3A_23 = arith.cmpi ne, %rem3A_21, %ne3A_22 : i32
    %lt3A = arith.constant 0 : i32
    %lt3A_24 = arith.cmpi slt, %rem3A_21, %lt3A : i32
    %lt3A_25 = arith.constant 0 : i32
    %lt3A_26 = arith.cmpi slt, %select_n3A_20, %lt3A_25 : i32
    %ne3A_27 = arith.xori %lt3A_24, %lt3A_26 : i1
    %and3A_28 = arith.andi %ne3A_27, %ne3A_23 : i1
    %add3A_29 = arith.addi %rem3A_21, %select_n3A_20 : i32
    %select_n3A_30 = arith.select %and3A_28, %add3A_29, %rem3A_21 : i32
    %run_scoped3A = arith.constant 0 : i32
    "tpu.region"() ({
      %run_scoped3A_147 = tpu.sem_alloc : memref<!tpu.dma_semaphore, #tpu.memory_space<semaphore_mem>>
      %dma_start3A_148 = arith.constant 0 : i32
      %dma_start3A_149 = tpu.memref_slice %arg2[%select_n3A, %run_scoped3A, %dma_start3A_148] : memref<16x1x576xi32, #tpu.memory_space<hbm>> -> memref<1x1x576xi32, #tpu.memory_space<hbm>>
      %dma_start3A_150 = tpu.memref_squeeze %dma_start3A_149 : memref<1x1x576xi32, #tpu.memory_space<hbm>> -> memref<576xi32, #tpu.memory_space<hbm>>
      %dma_start3A_151 = arith.constant 0 : i32
      %dma_start3A_152 = tpu.memref_slice %arg2[%select_n3A, %run_scoped3A, %dma_start3A_151] : memref<16x1x576xi32, #tpu.memory_space<hbm>> -> memref<1x1x576xi32, #tpu.memory_space<hbm>>
      %dma_start3A_153 = tpu.memref_squeeze %dma_start3A_152 : memref<1x1x576xi32, #tpu.memory_space<hbm>> -> memref<576xi32, #tpu.memory_space<hbm>>
      tpu.enqueue_dma source(%dma_start3A_153 : memref<576xi32, #tpu.memory_space<hbm>>) target(%arg5 : memref<576xi32, #tpu.memory_space<vmem>>) target_semaphore(%run_scoped3A_147 : memref<!tpu.dma_semaphore, #tpu.memory_space<semaphore_mem>>)
      %dma_wait3A_154 = arith.constant 0 : i32
      %dma_wait3A_155 = tpu.memref_slice %arg2[%select_n3A, %run_scoped3A, %dma_wait3A_154] : memref<16x1x576xi32, #tpu.memory_space<hbm>> -> memref<1x1x576xi32, #tpu.memory_space<hbm>>
      %dma_wait3A_156 = tpu.memref_squeeze %dma_wait3A_155 : memref<1x1x576xi32, #tpu.memory_space<hbm>> -> memref<576xi32, #tpu.memory_space<hbm>>
      %dma_wait3A_157 = arith.constant 0 : i32
      %dma_wait3A_158 = tpu.memref_slice %arg2[%select_n3A, %run_scoped3A, %dma_wait3A_157] : memref<16x1x576xi32, #tpu.memory_space<hbm>> -> memref<1x1x576xi32, #tpu.memory_space<hbm>>
      %dma_wait3A_159 = tpu.memref_squeeze %dma_wait3A_158 : memref<1x1x576xi32, #tpu.memory_space<hbm>> -> memref<576xi32, #tpu.memory_space<hbm>>
      tpu.wait_dma2 semaphore(%run_scoped3A_147 : memref<!tpu.dma_semaphore, #tpu.memory_space<semaphore_mem>>) src(%dma_wait3A_159 : memref<576xi32, #tpu.memory_space<hbm>>) dst(%arg5 : memref<576xi32, #tpu.memory_space<vmem>>)
      tpu.yield
    }) : () -> ()
    %mul3A_31 = arith.constant 288 : i32
    %mul3A_32 = arith.muli %select_n3A_30, %mul3A_31 : i32
    %add3A_33 = arith.constant 0 : i32
    %add3A_34 = arith.addi %mul3A_32, %add3A_33 : i32
    %dma_start3A = arith.constant 0 : i32
    %dma_start3A_35 = arith.constant 0 : i32
    %dma_start3A_36 = tpu.memref_slice %arg6[%dma_start3A, %dma_start3A_35] : memref<288x256xf32, #tpu.memory_space<vmem>> -> memref<96x256xf32, #tpu.memory_space<vmem>>
    %dma_start3A_37 = tpu.memref_slice %arg5[%add3A_34] : memref<576xi32, #tpu.memory_space<vmem>> -> memref<96xi32, #tpu.memory_space<vmem>>
    %dma_start3A_38 = arith.constant 0 : i32
    %dma_start3A_39 = arith.constant 0 : i32
    %dma_start3A_40 = tpu.memref_slice %arg3[%dma_start3A_38, %dma_start3A_39] : memref<8192x256xf32, #tpu.memory_space<hbm>> -> memref<8192x256xf32, #tpu.memory_space<hbm>>
    tpu.enqueue_indirect_dma source(%dma_start3A_40 : memref<8192x256xf32, #tpu.memory_space<hbm>>) target(%dma_start3A_36 : memref<96x256xf32, #tpu.memory_space<vmem>>) offsets(%dma_start3A_37 : memref<96xi32, #tpu.memory_space<vmem>>) semaphore(%arg7 : memref<!tpu.dma_semaphore, #tpu.memory_space<semaphore_mem>>)
    %add3A_41 = arith.constant 96 : i32
    %add3A_42 = arith.addi %mul3A_32, %add3A_41 : i32
    %dma_start3A_43 = arith.constant 96 : i32
    %dma_start3A_44 = arith.constant 0 : i32
    %dma_start3A_45 = tpu.memref_slice %arg6[%dma_start3A_43, %dma_start3A_44] : memref<288x256xf32, #tpu.memory_space<vmem>> -> memref<96x256xf32, #tpu.memory_space<vmem>>
    %dma_start3A_46 = tpu.memref_slice %arg5[%add3A_42] : memref<576xi32, #tpu.memory_space<vmem>> -> memref<96xi32, #tpu.memory_space<vmem>>
    %dma_start3A_47 = arith.constant 0 : i32
    %dma_start3A_48 = arith.constant 0 : i32
    %dma_start3A_49 = tpu.memref_slice %arg3[%dma_start3A_47, %dma_start3A_48] : memref<8192x256xf32, #tpu.memory_space<hbm>> -> memref<8192x256xf32, #tpu.memory_space<hbm>>
    tpu.enqueue_indirect_dma source(%dma_start3A_49 : memref<8192x256xf32, #tpu.memory_space<hbm>>) target(%dma_start3A_45 : memref<96x256xf32, #tpu.memory_space<vmem>>) offsets(%dma_start3A_46 : memref<96xi32, #tpu.memory_space<vmem>>) semaphore(%arg7 : memref<!tpu.dma_semaphore, #tpu.memory_space<semaphore_mem>>)
    %add3A_50 = arith.constant 192 : i32
    %add3A_51 = arith.addi %mul3A_32, %add3A_50 : i32
    %dma_start3A_52 = arith.constant 192 : i32
    %dma_start3A_53 = arith.constant 0 : i32
    %dma_start3A_54 = tpu.memref_slice %arg6[%dma_start3A_52, %dma_start3A_53] : memref<288x256xf32, #tpu.memory_space<vmem>> -> memref<96x256xf32, #tpu.memory_space<vmem>>
    %dma_start3A_55 = tpu.memref_slice %arg5[%add3A_51] : memref<576xi32, #tpu.memory_space<vmem>> -> memref<96xi32, #tpu.memory_space<vmem>>
    %dma_start3A_56 = arith.constant 0 : i32
    %dma_start3A_57 = arith.constant 0 : i32
    %dma_start3A_58 = tpu.memref_slice %arg3[%dma_start3A_56, %dma_start3A_57] : memref<8192x256xf32, #tpu.memory_space<hbm>> -> memref<8192x256xf32, #tpu.memory_space<hbm>>
    tpu.enqueue_indirect_dma source(%dma_start3A_58 : memref<8192x256xf32, #tpu.memory_space<hbm>>) target(%dma_start3A_54 : memref<96x256xf32, #tpu.memory_space<vmem>>) offsets(%dma_start3A_55 : memref<96xi32, #tpu.memory_space<vmem>>) semaphore(%arg7 : memref<!tpu.dma_semaphore, #tpu.memory_space<semaphore_mem>>)
    %mul3A_59 = arith.constant 288 : i32
    %mul3A_60 = arith.muli %add3A, %mul3A_59 : i32
    %dma_wait3A = arith.constant 0 : i32
    %dma_wait3A_61 = arith.constant 0 : i32
    %dma_wait3A_62 = tpu.memref_slice %arg6[%dma_wait3A, %dma_wait3A_61] : memref<288x256xf32, #tpu.memory_space<vmem>> -> memref<96x256xf32, #tpu.memory_space<vmem>>
    %dma_wait3A_63 = tpu.memref_slice %arg5[%add3A_34] : memref<576xi32, #tpu.memory_space<vmem>> -> memref<96xi32, #tpu.memory_space<vmem>>
    %dma_wait3A_64 = arith.constant 0 : i32
    %dma_wait3A_65 = arith.constant 0 : i32
    %dma_wait3A_66 = tpu.memref_slice %arg3[%dma_wait3A_64, %dma_wait3A_65] : memref<8192x256xf32, #tpu.memory_space<hbm>> -> memref<8192x256xf32, #tpu.memory_space<hbm>>
    tpu.wait_indirect_dma semaphore(%arg7 : memref<!tpu.dma_semaphore, #tpu.memory_space<semaphore_mem>>) src(%dma_wait3A_66 : memref<8192x256xf32, #tpu.memory_space<hbm>>) dst(%dma_wait3A_62 : memref<96x256xf32, #tpu.memory_space<vmem>>)
    %add3A_67 = arith.constant 0 : i32
    %add3A_68 = arith.addi %mul3A_60, %add3A_67 : i32
    %dma_start3A_69 = arith.constant 0 : i32
    %dma_start3A_70 = arith.constant 0 : i32
    %dma_start3A_71 = tpu.memref_slice %arg6[%dma_start3A_69, %dma_start3A_70] : memref<288x256xf32, #tpu.memory_space<vmem>> -> memref<96x256xf32, #tpu.memory_space<vmem>>
    %dma_start3A_72 = arith.constant 0 : i32
    %dma_start3A_73 = tpu.memref_slice %arg4[%add3A_68, %dma_start3A_72] : memref<9216x256xf32, #tpu.memory_space<hbm>> -> memref<96x256xf32, #tpu.memory_space<hbm>>
    %dma_start3A_74 = arith.constant 0 : i32
    %dma_start3A_75 = tpu.memref_slice %arg4[%add3A_68, %dma_start3A_74] : memref<9216x256xf32, #tpu.memory_space<hbm>> -> memref<96x256xf32, #tpu.memory_space<hbm>>
    %dma_start3A_76 = arith.constant 0 : i32
    %dma_start3A_77 = arith.constant 0 : i32
    %dma_start3A_78 = tpu.memref_slice %arg6[%dma_start3A_76, %dma_start3A_77] : memref<288x256xf32, #tpu.memory_space<vmem>> -> memref<96x256xf32, #tpu.memory_space<vmem>>
    tpu.enqueue_dma source(%dma_start3A_78 : memref<96x256xf32, #tpu.memory_space<vmem>>) target(%dma_start3A_75 : memref<96x256xf32, #tpu.memory_space<hbm>>) target_semaphore(%arg8 : memref<!tpu.dma_semaphore, #tpu.memory_space<semaphore_mem>>)
    %dma_wait3A_79 = arith.constant 96 : i32
    %dma_wait3A_80 = arith.constant 0 : i32
    %dma_wait3A_81 = tpu.memref_slice %arg6[%dma_wait3A_79, %dma_wait3A_80] : memref<288x256xf32, #tpu.memory_space<vmem>> -> memref<96x256xf32, #tpu.memory_space<vmem>>
    %dma_wait3A_82 = tpu.memref_slice %arg5[%add3A_42] : memref<576xi32, #tpu.memory_space<vmem>> -> memref<96xi32, #tpu.memory_space<vmem>>
    %dma_wait3A_83 = arith.constant 0 : i32
    %dma_wait3A_84 = arith.constant 0 : i32
    %dma_wait3A_85 = tpu.memref_slice %arg3[%dma_wait3A_83, %dma_wait3A_84] : memref<8192x256xf32, #tpu.memory_space<hbm>> -> memref<8192x256xf32, #tpu.memory_space<hbm>>
    tpu.wait_indirect_dma semaphore(%arg7 : memref<!tpu.dma_semaphore, #tpu.memory_space<semaphore_mem>>) src(%dma_wait3A_85 : memref<8192x256xf32, #tpu.memory_space<hbm>>) dst(%dma_wait3A_81 : memref<96x256xf32, #tpu.memory_space<vmem>>)
    %add3A_86 = arith.constant 96 : i32
    %add3A_87 = arith.addi %mul3A_60, %add3A_86 : i32
    %dma_start3A_88 = arith.constant 96 : i32
    %dma_start3A_89 = arith.constant 0 : i32
    %dma_start3A_90 = tpu.memref_slice %arg6[%dma_start3A_88, %dma_start3A_89] : memref<288x256xf32, #tpu.memory_space<vmem>> -> memref<96x256xf32, #tpu.memory_space<vmem>>
    %dma_start3A_91 = arith.constant 0 : i32
    %dma_start3A_92 = tpu.memref_slice %arg4[%add3A_87, %dma_start3A_91] : memref<9216x256xf32, #tpu.memory_space<hbm>> -> memref<96x256xf32, #tpu.memory_space<hbm>>
    %dma_start3A_93 = arith.constant 0 : i32
    %dma_start3A_94 = tpu.memref_slice %arg4[%add3A_87, %dma_start3A_93] : memref<9216x256xf32, #tpu.memory_space<hbm>> -> memref<96x256xf32, #tpu.memory_space<hbm>>
    %dma_start3A_95 = arith.constant 96 : i32
    %dma_start3A_96 = arith.constant 0 : i32
    %dma_start3A_97 = tpu.memref_slice %arg6[%dma_start3A_95, %dma_start3A_96] : memref<288x256xf32, #tpu.memory_space<vmem>> -> memref<96x256xf32, #tpu.memory_space<vmem>>
    tpu.enqueue_dma source(%dma_start3A_97 : memref<96x256xf32, #tpu.memory_space<vmem>>) target(%dma_start3A_94 : memref<96x256xf32, #tpu.memory_space<hbm>>) target_semaphore(%arg8 : memref<!tpu.dma_semaphore, #tpu.memory_space<semaphore_mem>>)
    %dma_wait3A_98 = arith.constant 192 : i32
    %dma_wait3A_99 = arith.constant 0 : i32
    %dma_wait3A_100 = tpu.memref_slice %arg6[%dma_wait3A_98, %dma_wait3A_99] : memref<288x256xf32, #tpu.memory_space<vmem>> -> memref<96x256xf32, #tpu.memory_space<vmem>>
    %dma_wait3A_101 = tpu.memref_slice %arg5[%add3A_51] : memref<576xi32, #tpu.memory_space<vmem>> -> memref<96xi32, #tpu.memory_space<vmem>>
    %dma_wait3A_102 = arith.constant 0 : i32
    %dma_wait3A_103 = arith.constant 0 : i32
    %dma_wait3A_104 = tpu.memref_slice %arg3[%dma_wait3A_102, %dma_wait3A_103] : memref<8192x256xf32, #tpu.memory_space<hbm>> -> memref<8192x256xf32, #tpu.memory_space<hbm>>
    tpu.wait_indirect_dma semaphore(%arg7 : memref<!tpu.dma_semaphore, #tpu.memory_space<semaphore_mem>>) src(%dma_wait3A_104 : memref<8192x256xf32, #tpu.memory_space<hbm>>) dst(%dma_wait3A_100 : memref<96x256xf32, #tpu.memory_space<vmem>>)
    %add3A_105 = arith.constant 192 : i32
    %add3A_106 = arith.addi %mul3A_60, %add3A_105 : i32
    %dma_start3A_107 = arith.constant 192 : i32
    %dma_start3A_108 = arith.constant 0 : i32
    %dma_start3A_109 = tpu.memref_slice %arg6[%dma_start3A_107, %dma_start3A_108] : memref<288x256xf32, #tpu.memory_space<vmem>> -> memref<96x256xf32, #tpu.memory_space<vmem>>
    %dma_start3A_110 = arith.constant 0 : i32
    %dma_start3A_111 = tpu.memref_slice %arg4[%add3A_106, %dma_start3A_110] : memref<9216x256xf32, #tpu.memory_space<hbm>> -> memref<96x256xf32, #tpu.memory_space<hbm>>
    %dma_start3A_112 = arith.constant 0 : i32
    %dma_start3A_113 = tpu.memref_slice %arg4[%add3A_106, %dma_start3A_112] : memref<9216x256xf32, #tpu.memory_space<hbm>> -> memref<96x256xf32, #tpu.memory_space<hbm>>
    %dma_start3A_114 = arith.constant 192 : i32
    %dma_start3A_115 = arith.constant 0 : i32
    %dma_start3A_116 = tpu.memref_slice %arg6[%dma_start3A_114, %dma_start3A_115] : memref<288x256xf32, #tpu.memory_space<vmem>> -> memref<96x256xf32, #tpu.memory_space<vmem>>
    tpu.enqueue_dma source(%dma_start3A_116 : memref<96x256xf32, #tpu.memory_space<vmem>>) target(%dma_start3A_113 : memref<96x256xf32, #tpu.memory_space<hbm>>) target_semaphore(%arg8 : memref<!tpu.dma_semaphore, #tpu.memory_space<semaphore_mem>>)
    %dma_wait3A_117 = arith.constant 0 : i32
    %dma_wait3A_118 = arith.constant 0 : i32
    %dma_wait3A_119 = tpu.memref_slice %arg6[%dma_wait3A_117, %dma_wait3A_118] : memref<288x256xf32, #tpu.memory_space<vmem>> -> memref<96x256xf32, #tpu.memory_space<vmem>>
    %dma_wait3A_120 = arith.constant 0 : i32
    %dma_wait3A_121 = tpu.memref_slice %arg4[%add3A_68, %dma_wait3A_120] : memref<9216x256xf32, #tpu.memory_space<hbm>> -> memref<96x256xf32, #tpu.memory_space<hbm>>
    %dma_wait3A_122 = arith.constant 0 : i32
    %dma_wait3A_123 = tpu.memref_slice %arg4[%add3A_68, %dma_wait3A_122] : memref<9216x256xf32, #tpu.memory_space<hbm>> -> memref<96x256xf32, #tpu.memory_space<hbm>>
    %dma_wait3A_124 = arith.constant 0 : i32
    %dma_wait3A_125 = arith.constant 0 : i32
    %dma_wait3A_126 = tpu.memref_slice %arg6[%dma_wait3A_124, %dma_wait3A_125] : memref<288x256xf32, #tpu.memory_space<vmem>> -> memref<96x256xf32, #tpu.memory_space<vmem>>
    tpu.wait_dma2 semaphore(%arg8 : memref<!tpu.dma_semaphore, #tpu.memory_space<semaphore_mem>>) src(%dma_wait3A_126 : memref<96x256xf32, #tpu.memory_space<vmem>>) dst(%dma_wait3A_123 : memref<96x256xf32, #tpu.memory_space<hbm>>)
    %dma_wait3A_127 = arith.constant 96 : i32
    %dma_wait3A_128 = arith.constant 0 : i32
    %dma_wait3A_129 = tpu.memref_slice %arg6[%dma_wait3A_127, %dma_wait3A_128] : memref<288x256xf32, #tpu.memory_space<vmem>> -> memref<96x256xf32, #tpu.memory_space<vmem>>
    %dma_wait3A_130 = arith.constant 0 : i32
    %dma_wait3A_131 = tpu.memref_slice %arg4[%add3A_87, %dma_wait3A_130] : memref<9216x256xf32, #tpu.memory_space<hbm>> -> memref<96x256xf32, #tpu.memory_space<hbm>>
    %dma_wait3A_132 = arith.constant 0 : i32
    %dma_wait3A_133 = tpu.memref_slice %arg4[%add3A_87, %dma_wait3A_132] : memref<9216x256xf32, #tpu.memory_space<hbm>> -> memref<96x256xf32, #tpu.memory_space<hbm>>
    %dma_wait3A_134 = arith.constant 96 : i32
    %dma_wait3A_135 = arith.constant 0 : i32
    %dma_wait3A_136 = tpu.memref_slice %arg6[%dma_wait3A_134, %dma_wait3A_135] : memref<288x256xf32, #tpu.memory_space<vmem>> -> memref<96x256xf32, #tpu.memory_space<vmem>>
    tpu.wait_dma2 semaphore(%arg8 : memref<!tpu.dma_semaphore, #tpu.memory_space<semaphore_mem>>) src(%dma_wait3A_136 : memref<96x256xf32, #tpu.memory_space<vmem>>) dst(%dma_wait3A_133 : memref<96x256xf32, #tpu.memory_space<hbm>>)
    %dma_wait3A_137 = arith.constant 192 : i32
    %dma_wait3A_138 = arith.constant 0 : i32
    %dma_wait3A_139 = tpu.memref_slice %arg6[%dma_wait3A_137, %dma_wait3A_138] : memref<288x256xf32, #tpu.memory_space<vmem>> -> memref<96x256xf32, #tpu.memory_space<vmem>>
    %dma_wait3A_140 = arith.constant 0 : i32
    %dma_wait3A_141 = tpu.memref_slice %arg4[%add3A_106, %dma_wait3A_140] : memref<9216x256xf32, #tpu.memory_space<hbm>> -> memref<96x256xf32, #tpu.memory_space<hbm>>
    %dma_wait3A_142 = arith.constant 0 : i32
    %dma_wait3A_143 = tpu.memref_slice %arg4[%add3A_106, %dma_wait3A_142] : memref<9216x256xf32, #tpu.memory_space<hbm>> -> memref<96x256xf32, #tpu.memory_space<hbm>>
    %dma_wait3A_144 = arith.constant 192 : i32
    %dma_wait3A_145 = arith.constant 0 : i32
    %dma_wait3A_146 = tpu.memref_slice %arg6[%dma_wait3A_144, %dma_wait3A_145] : memref<288x256xf32, #tpu.memory_space<vmem>> -> memref<96x256xf32, #tpu.memory_space<vmem>>
    tpu.wait_dma2 semaphore(%arg8 : memref<!tpu.dma_semaphore, #tpu.memory_space<semaphore_mem>>) src(%dma_wait3A_146 : memref<96x256xf32, #tpu.memory_space<vmem>>) dst(%dma_wait3A_143 : memref<96x256xf32, #tpu.memory_space<hbm>>)
    return
  }
}

module attributes {stable_mosaic.version = 14 : i64} {
  func.func @_transpose_body(%arg0: i32, %arg1: memref<1x576x256xf32, #tpu.memory_space<vmem>>, %arg2: memref<1x256x576xf32, #tpu.memory_space<vmem>>) attributes {dimension_semantics = [#tpu.dimension_semantics<arbitrary>], iteration_bounds = array<i64: 16>, scalar_prefetch = 0 : i64, scratch_operands = 0 : i64, tpu.core_type = #tpu.core_type<tc>, window_params = [{transform_indices = @transform_0, window_bounds = array<i64: 1, 576, 256>}, {transform_indices = @transform_1, window_bounds = array<i64: 1, 256, 576>}]} {
    %get3A = arith.constant 0 : index
    %get3A_0 = arith.constant 0 : index
    %get3A_1 = arith.constant 0 : index
    %get3A_2 = vector.load %arg1[%get3A, %get3A_0, %get3A_1] : memref<1x576x256xf32, #tpu.memory_space<vmem>>, vector<1x576x256xf32>
    %get3A_3 = vector.shape_cast %get3A_2 : vector<1x576x256xf32> to vector<576x256xf32>
    %transpose3A = tpu.transpose %get3A_3, [1, 0] : vector<576x256xf32> -> vector<256x576xf32>
    %swap3A = arith.constant 0 : index
    %swap3A_4 = arith.constant 0 : index
    %swap3A_5 = arith.constant 0 : index
    %swap3A_6 = vector.load %arg2[%swap3A, %swap3A_4, %swap3A_5] : memref<1x256x576xf32, #tpu.memory_space<vmem>>, vector<1x256x576xf32>
    %swap3A_7 = vector.shape_cast %swap3A_6 : vector<1x256x576xf32> to vector<256x576xf32>
    %swap3A_8 = vector.shape_cast %transpose3A : vector<256x576xf32> to vector<1x256x576xf32>
    tpu.vector_store %arg2[%swap3A, %swap3A_4, %swap3A_5], %swap3A_8 {strides = array<i32>} : memref<1x256x576xf32, #tpu.memory_space<vmem>>, vector<1x256x576xf32>,
    return
  }
  func.func @transform_0(%arg0: i32) -> (i32, i32, i32) {
    %c0_i32 = arith.constant 0 : i32
    %c0_i32_0 = arith.constant 0 : i32
    %c0_i32_1 = arith.constant 0 : i32
    return %arg0, %c0_i32, %c0_i32_0 : i32, i32, i32
  }
  func.func @transform_1(%arg0: i32) -> (i32, i32, i32) {
    %c0_i32 = arith.constant 0 : i32
    %c0_i32_0 = arith.constant 0 : i32
    %c0_i32_1 = arith.constant 0 : i32
    return %arg0, %c0_i32, %c0_i32_0 : i32, i32, i32
  }
}

module attributes {stable_mosaic.version = 14 : i64} {
  func.func @_argmin_body(%arg0: i32, %arg1: i32, %arg2: memref<8x256x576xf32, #tpu.memory_space<vmem>>, %arg3: memref<2048x256xf32, #tpu.memory_space<vmem>>, %arg4: memref<8x1x576xi32, #tpu.memory_space<vmem>>, %arg5: memref<8x1x576xf32, #tpu.memory_space<vmem>>, %arg6: memref<8x1x576xf32, #tpu.memory_space<vmem>>, %arg7: memref<8x1x576xf32, #tpu.memory_space<vmem>>, %arg8: memref<4x2048x1xf32, #tpu.memory_space<vmem>>) attributes {dimension_semantics = [#tpu.dimension_semantics<arbitrary>, #tpu.dimension_semantics<arbitrary>], iteration_bounds = array<i64: 2, 4>, scalar_prefetch = 0 : i64, scratch_operands = 4 : i64, tpu.core_type = #tpu.core_type<tc>, window_params = [{transform_indices = @transform_0, window_bounds = array<i64: 8, 256, 576>}, {transform_indices = @transform_1, window_bounds = array<i64: 2048, 256>}, {transform_indices = @transform_2, window_bounds = array<i64: 8, 1, 576>}]} {
    %eq3A = arith.constant 0 : i32
    %eq3A_0 = arith.cmpi eq, %arg0, %eq3A : i32
    %convert_element_type3A = arith.extui %eq3A_0 : i1 to i32
    %cond3A = arith.constant 0 : i32
    %cond3A_1 = arith.cmpi ne, %convert_element_type3A, %cond3A : i32
    scf.if %cond3A_1 {
      %get3A_274 = arith.constant 0 : index
      %get3A_275 = arith.constant 0 : index
      %get3A_276 = vector.load %arg3[%get3A_274, %get3A_275] : memref<2048x256xf32, #tpu.memory_space<vmem>>, vector<2048x256xf32>
      %mul3A_277 = arith.mulf %get3A_276, %get3A_276 : vector<2048x256xf32>
      %reduce_sum3A = arith.constant dense<0.000000e+00> : vector<2048xf32>
      %reduce_sum3A_278 = vector.multi_reduction <add>, %mul3A_277, %reduce_sum3A [1] : vector<2048x256xf32> to vector<2048xf32>
      %broadcast_in_dim3A_279 = vector.shape_cast %reduce_sum3A_278 : vector<2048xf32> to vector<2048x1xf32>
      %swap3A = arith.index_cast %arg1 : i32 to index
      %swap3A_280 = arith.constant 0 : index
      %swap3A_281 = arith.constant 0 : index
      %swap3A_282 = vector.load %arg8[%swap3A, %swap3A_280, %swap3A_281] : memref<4x2048x1xf32, #tpu.memory_space<vmem>>, vector<1x2048x1xf32>
      %swap3A_283 = vector.shape_cast %swap3A_282 : vector<1x2048x1xf32> to vector<2048x1xf32>
      %swap3A_284 = vector.shape_cast %broadcast_in_dim3A_279 : vector<2048x1xf32> to vector<1x2048x1xf32>
      tpu.vector_store %arg8[%swap3A, %swap3A_280, %swap3A_281], %swap3A_284 {strides = array<i32>} : memref<4x2048x1xf32, #tpu.memory_space<vmem>>, vector<1x2048x1xf32>,
    } else {
    }
    %eq3A_2 = arith.constant 0 : i32
    %eq3A_3 = arith.cmpi eq, %arg1, %eq3A_2 : i32
    %convert_element_type3A_4 = arith.extui %eq3A_3 : i1 to i32
    %cond3A_5 = arith.constant 0 : i32
    %cond3A_6 = arith.cmpi ne, %convert_element_type3A_4, %cond3A_5 : i32
    scf.if %cond3A_6 {
      %get3A_274 = arith.constant 0 : index
      %get3A_275 = arith.constant 0 : index
      %get3A_276 = arith.constant 0 : index
      %get3A_277 = vector.load %arg2[%get3A_274, %get3A_275, %get3A_276] : memref<8x256x576xf32, #tpu.memory_space<vmem>>, vector<1x256x576xf32>
      %get3A_278 = vector.shape_cast %get3A_277 : vector<1x256x576xf32> to vector<256x576xf32>
      %mul3A_279 = arith.mulf %get3A_278, %get3A_278 : vector<256x576xf32>
      %reduce_sum3A = arith.constant dense<0.000000e+00> : vector<576xf32>
      %reduce_sum3A_280 = vector.multi_reduction <add>, %mul3A_279, %reduce_sum3A [0] : vector<256x576xf32> to vector<576xf32>
      %broadcast_in_dim3A_281 = vector.shape_cast %reduce_sum3A_280 : vector<576xf32> to vector<1x576xf32>
      %swap3A = arith.constant 0 : index
      %swap3A_282 = arith.constant 0 : index
      %swap3A_283 = arith.constant 0 : index
      %swap3A_284 = vector.load %arg7[%swap3A, %swap3A_282, %swap3A_283] : memref<8x1x576xf32, #tpu.memory_space<vmem>>, vector<1x1x576xf32>
      %swap3A_285 = vector.shape_cast %swap3A_284 : vector<1x1x576xf32> to vector<1x576xf32>
      %swap3A_286 = vector.shape_cast %broadcast_in_dim3A_281 : vector<1x576xf32> to vector<1x1x576xf32>
      tpu.vector_store %arg7[%swap3A, %swap3A_282, %swap3A_283], %swap3A_286 {strides = array<i32>} : memref<8x1x576xf32, #tpu.memory_space<vmem>>, vector<1x1x576xf32>,
      %get3A_287 = arith.constant 1 : index
      %get3A_288 = arith.constant 0 : index
      %get3A_289 = arith.constant 0 : index
      %get3A_290 = vector.load %arg2[%get3A_287, %get3A_288, %get3A_289] : memref<8x256x576xf32, #tpu.memory_space<vmem>>, vector<1x256x576xf32>
      %get3A_291 = vector.shape_cast %get3A_290 : vector<1x256x576xf32> to vector<256x576xf32>
      %mul3A_292 = arith.mulf %get3A_291, %get3A_291 : vector<256x576xf32>
      %reduce_sum3A_293 = arith.constant dense<0.000000e+00> : vector<576xf32>
      %reduce_sum3A_294 = vector.multi_reduction <add>, %mul3A_292, %reduce_sum3A_293 [0] : vector<256x576xf32> to vector<576xf32>
      %broadcast_in_dim3A_295 = vector.shape_cast %reduce_sum3A_294 : vector<576xf32> to vector<1x576xf32>
      %swap3A_296 = arith.constant 1 : index
      %swap3A_297 = arith.constant 0 : index
      %swap3A_298 = arith.constant 0 : index
      %swap3A_299 = vector.load %arg7[%swap3A_296, %swap3A_297, %swap3A_298] : memref<8x1x576xf32, #tpu.memory_space<vmem>>, vector<1x1x576xf32>
      %swap3A_300 = vector.shape_cast %swap3A_299 : vector<1x1x576xf32> to vector<1x576xf32>
      %swap3A_301 = vector.shape_cast %broadcast_in_dim3A_295 : vector<1x576xf32> to vector<1x1x576xf32>
      tpu.vector_store %arg7[%swap3A_296, %swap3A_297, %swap3A_298], %swap3A_301 {strides = array<i32>} : memref<8x1x576xf32, #tpu.memory_space<vmem>>, vector<1x1x576xf32>,
      %get3A_302 = arith.constant 2 : index
      %get3A_303 = arith.constant 0 : index
      %get3A_304 = arith.constant 0 : index
      %get3A_305 = vector.load %arg2[%get3A_302, %get3A_303, %get3A_304] : memref<8x256x576xf32, #tpu.memory_space<vmem>>, vector<1x256x576xf32>
      %get3A_306 = vector.shape_cast %get3A_305 : vector<1x256x576xf32> to vector<256x576xf32>
      %mul3A_307 = arith.mulf %get3A_306, %get3A_306 : vector<256x576xf32>
      %reduce_sum3A_308 = arith.constant dense<0.000000e+00> : vector<576xf32>
      %reduce_sum3A_309 = vector.multi_reduction <add>, %mul3A_307, %reduce_sum3A_308 [0] : vector<256x576xf32> to vector<576xf32>
      %broadcast_in_dim3A_310 = vector.shape_cast %reduce_sum3A_309 : vector<576xf32> to vector<1x576xf32>
      %swap3A_311 = arith.constant 2 : index
      %swap3A_312 = arith.constant 0 : index
      %swap3A_313 = arith.constant 0 : index
      %swap3A_314 = vector.load %arg7[%swap3A_311, %swap3A_312, %swap3A_313] : memref<8x1x576xf32, #tpu.memory_space<vmem>>, vector<1x1x576xf32>
      %swap3A_315 = vector.shape_cast %swap3A_314 : vector<1x1x576xf32> to vector<1x576xf32>
      %swap3A_316 = vector.shape_cast %broadcast_in_dim3A_310 : vector<1x576xf32> to vector<1x1x576xf32>
      tpu.vector_store %arg7[%swap3A_311, %swap3A_312, %swap3A_313], %swap3A_316 {strides = array<i32>} : memref<8x1x576xf32, #tpu.memory_space<vmem>>, vector<1x1x576xf32>,
      %get3A_317 = arith.constant 3 : index
      %get3A_318 = arith.constant 0 : index
      %get3A_319 = arith.constant 0 : index
      %get3A_320 = vector.load %arg2[%get3A_317, %get3A_318, %get3A_319] : memref<8x256x576xf32, #tpu.memory_space<vmem>>, vector<1x256x576xf32>
      %get3A_321 = vector.shape_cast %get3A_320 : vector<1x256x576xf32> to vector<256x576xf32>
      %mul3A_322 = arith.mulf %get3A_321, %get3A_321 : vector<256x576xf32>
      %reduce_sum3A_323 = arith.constant dense<0.000000e+00> : vector<576xf32>
      %reduce_sum3A_324 = vector.multi_reduction <add>, %mul3A_322, %reduce_sum3A_323 [0] : vector<256x576xf32> to vector<576xf32>
      %broadcast_in_dim3A_325 = vector.shape_cast %reduce_sum3A_324 : vector<576xf32> to vector<1x576xf32>
      %swap3A_326 = arith.constant 3 : index
      %swap3A_327 = arith.constant 0 : index
      %swap3A_328 = arith.constant 0 : index
      %swap3A_329 = vector.load %arg7[%swap3A_326, %swap3A_327, %swap3A_328] : memref<8x1x576xf32, #tpu.memory_space<vmem>>, vector<1x1x576xf32>
      %swap3A_330 = vector.shape_cast %swap3A_329 : vector<1x1x576xf32> to vector<1x576xf32>
      %swap3A_331 = vector.shape_cast %broadcast_in_dim3A_325 : vector<1x576xf32> to vector<1x1x576xf32>
      tpu.vector_store %arg7[%swap3A_326, %swap3A_327, %swap3A_328], %swap3A_331 {strides = array<i32>} : memref<8x1x576xf32, #tpu.memory_space<vmem>>, vector<1x1x576xf32>,
      %get3A_332 = arith.constant 4 : index
      %get3A_333 = arith.constant 0 : index
      %get3A_334 = arith.constant 0 : index
      %get3A_335 = vector.load %arg2[%get3A_332, %get3A_333, %get3A_334] : memref<8x256x576xf32, #tpu.memory_space<vmem>>, vector<1x256x576xf32>
      %get3A_336 = vector.shape_cast %get3A_335 : vector<1x256x576xf32> to vector<256x576xf32>
      %mul3A_337 = arith.mulf %get3A_336, %get3A_336 : vector<256x576xf32>
      %reduce_sum3A_338 = arith.constant dense<0.000000e+00> : vector<576xf32>
      %reduce_sum3A_339 = vector.multi_reduction <add>, %mul3A_337, %reduce_sum3A_338 [0] : vector<256x576xf32> to vector<576xf32>
      %broadcast_in_dim3A_340 = vector.shape_cast %reduce_sum3A_339 : vector<576xf32> to vector<1x576xf32>
      %swap3A_341 = arith.constant 4 : index
      %swap3A_342 = arith.constant 0 : index
      %swap3A_343 = arith.constant 0 : index
      %swap3A_344 = vector.load %arg7[%swap3A_341, %swap3A_342, %swap3A_343] : memref<8x1x576xf32, #tpu.memory_space<vmem>>, vector<1x1x576xf32>
      %swap3A_345 = vector.shape_cast %swap3A_344 : vector<1x1x576xf32> to vector<1x576xf32>
      %swap3A_346 = vector.shape_cast %broadcast_in_dim3A_340 : vector<1x576xf32> to vector<1x1x576xf32>
      tpu.vector_store %arg7[%swap3A_341, %swap3A_342, %swap3A_343], %swap3A_346 {strides = array<i32>} : memref<8x1x576xf32, #tpu.memory_space<vmem>>, vector<1x1x576xf32>,
      %get3A_347 = arith.constant 5 : index
      %get3A_348 = arith.constant 0 : index
      %get3A_349 = arith.constant 0 : index
      %get3A_350 = vector.load %arg2[%get3A_347, %get3A_348, %get3A_349] : memref<8x256x576xf32, #tpu.memory_space<vmem>>, vector<1x256x576xf32>
      %get3A_351 = vector.shape_cast %get3A_350 : vector<1x256x576xf32> to vector<256x576xf32>
      %mul3A_352 = arith.mulf %get3A_351, %get3A_351 : vector<256x576xf32>
      %reduce_sum3A_353 = arith.constant dense<0.000000e+00> : vector<576xf32>
      %reduce_sum3A_354 = vector.multi_reduction <add>, %mul3A_352, %reduce_sum3A_353 [0] : vector<256x576xf32> to vector<576xf32>
      %broadcast_in_dim3A_355 = vector.shape_cast %reduce_sum3A_354 : vector<576xf32> to vector<1x576xf32>
      %swap3A_356 = arith.constant 5 : index
      %swap3A_357 = arith.constant 0 : index
      %swap3A_358 = arith.constant 0 : index
      %swap3A_359 = vector.load %arg7[%swap3A_356, %swap3A_357, %swap3A_358] : memref<8x1x576xf32, #tpu.memory_space<vmem>>, vector<1x1x576xf32>
      %swap3A_360 = vector.shape_cast %swap3A_359 : vector<1x1x576xf32> to vector<1x576xf32>
      %swap3A_361 = vector.shape_cast %broadcast_in_dim3A_355 : vector<1x576xf32> to vector<1x1x576xf32>
      tpu.vector_store %arg7[%swap3A_356, %swap3A_357, %swap3A_358], %swap3A_361 {strides = array<i32>} : memref<8x1x576xf32, #tpu.memory_space<vmem>>, vector<1x1x576xf32>,
      %get3A_362 = arith.constant 6 : index
      %get3A_363 = arith.constant 0 : index
      %get3A_364 = arith.constant 0 : index
      %get3A_365 = vector.load %arg2[%get3A_362, %get3A_363, %get3A_364] : memref<8x256x576xf32, #tpu.memory_space<vmem>>, vector<1x256x576xf32>
      %get3A_366 = vector.shape_cast %get3A_365 : vector<1x256x576xf32> to vector<256x576xf32>
      %mul3A_367 = arith.mulf %get3A_366, %get3A_366 : vector<256x576xf32>
      %reduce_sum3A_368 = arith.constant dense<0.000000e+00> : vector<576xf32>
      %reduce_sum3A_369 = vector.multi_reduction <add>, %mul3A_367, %reduce_sum3A_368 [0] : vector<256x576xf32> to vector<576xf32>
      %broadcast_in_dim3A_370 = vector.shape_cast %reduce_sum3A_369 : vector<576xf32> to vector<1x576xf32>
      %swap3A_371 = arith.constant 6 : index
      %swap3A_372 = arith.constant 0 : index
      %swap3A_373 = arith.constant 0 : index
      %swap3A_374 = vector.load %arg7[%swap3A_371, %swap3A_372, %swap3A_373] : memref<8x1x576xf32, #tpu.memory_space<vmem>>, vector<1x1x576xf32>
      %swap3A_375 = vector.shape_cast %swap3A_374 : vector<1x1x576xf32> to vector<1x576xf32>
      %swap3A_376 = vector.shape_cast %broadcast_in_dim3A_370 : vector<1x576xf32> to vector<1x1x576xf32>
      tpu.vector_store %arg7[%swap3A_371, %swap3A_372, %swap3A_373], %swap3A_376 {strides = array<i32>} : memref<8x1x576xf32, #tpu.memory_space<vmem>>, vector<1x1x576xf32>,
      %get3A_377 = arith.constant 7 : index
      %get3A_378 = arith.constant 0 : index
      %get3A_379 = arith.constant 0 : index
      %get3A_380 = vector.load %arg2[%get3A_377, %get3A_378, %get3A_379] : memref<8x256x576xf32, #tpu.memory_space<vmem>>, vector<1x256x576xf32>
      %get3A_381 = vector.shape_cast %get3A_380 : vector<1x256x576xf32> to vector<256x576xf32>
      %mul3A_382 = arith.mulf %get3A_381, %get3A_381 : vector<256x576xf32>
      %reduce_sum3A_383 = arith.constant dense<0.000000e+00> : vector<576xf32>
      %reduce_sum3A_384 = vector.multi_reduction <add>, %mul3A_382, %reduce_sum3A_383 [0] : vector<256x576xf32> to vector<576xf32>
      %broadcast_in_dim3A_385 = vector.shape_cast %reduce_sum3A_384 : vector<576xf32> to vector<1x576xf32>
      %swap3A_386 = arith.constant 7 : index
      %swap3A_387 = arith.constant 0 : index
      %swap3A_388 = arith.constant 0 : index
      %swap3A_389 = vector.load %arg7[%swap3A_386, %swap3A_387, %swap3A_388] : memref<8x1x576xf32, #tpu.memory_space<vmem>>, vector<1x1x576xf32>
      %swap3A_390 = vector.shape_cast %swap3A_389 : vector<1x1x576xf32> to vector<1x576xf32>
      %swap3A_391 = vector.shape_cast %broadcast_in_dim3A_385 : vector<1x576xf32> to vector<1x1x576xf32>
      tpu.vector_store %arg7[%swap3A_386, %swap3A_387, %swap3A_388], %swap3A_391 {strides = array<i32>} : memref<8x1x576xf32, #tpu.memory_space<vmem>>, vector<1x1x576xf32>,
    } else {
    }
    %mul3A = arith.constant 2048 : i32
    %mul3A_7 = arith.muli %arg1, %mul3A : i32
    %convert_element_type3A_8 = arith.sitofp %mul3A_7 : i32 to f32
    %get3A = arith.index_cast %arg1 : i32 to index
    %get3A_9 = arith.constant 0 : index
    %get3A_10 = arith.constant 0 : index
    %get3A_11 = vector.load %arg8[%get3A, %get3A_9, %get3A_10] : memref<4x2048x1xf32, #tpu.memory_space<vmem>>, vector<1x2048x1xf32>
    %get3A_12 = vector.shape_cast %get3A_11 : vector<1x2048x1xf32> to vector<2048x1xf32>
    %get3A_13 = arith.constant 0 : index
    %get3A_14 = arith.constant 0 : index
    %get3A_15 = vector.load %arg3[%get3A_13, %get3A_14] : memref<2048x256xf32, #tpu.memory_space<vmem>>, vector<2048x256xf32>
    %get3A_16 = arith.constant 0 : index
    %get3A_17 = arith.constant 0 : index
    %get3A_18 = vector.load %arg3[%get3A_16, %get3A_17] : memref<2048x256xf32, #tpu.memory_space<vmem>>, vector<2048x256xf32>
    %add3A = arith.addf %get3A_15, %get3A_18 : vector<2048x256xf32>
    %get3A_19 = arith.constant 0 : index
    %get3A_20 = arith.constant 0 : index
    %get3A_21 = arith.constant 0 : index
    %get3A_22 = vector.load %arg2[%get3A_19, %get3A_20, %get3A_21] : memref<8x256x576xf32, #tpu.memory_space<vmem>>, vector<1x256x576xf32>
    %get3A_23 = vector.shape_cast %get3A_22 : vector<1x256x576xf32> to vector<256x576xf32>
    %dot_general3A = arith.constant dense<0.000000e+00> : vector<2048x576xf32>
    %dot_general3A_24 = tpu.matmul %add3A, %get3A_23, %dot_general3A {dimension_numbers = #tpu.dot_dimension_numbers<[1], [0], [0], [1], [0, 0, 1, 1], [], []>, transpose_lhs_hint = false} : vector<2048x256xf32>, vector<256x576xf32>, vector<2048x576xf32> -> vector<2048x576xf32>
    %get3A_25 = arith.constant 0 : index
    %get3A_26 = arith.constant 0 : index
    %get3A_27 = arith.constant 0 : index
    %get3A_28 = vector.load %arg7[%get3A_25, %get3A_26, %get3A_27] : memref<8x1x576xf32, #tpu.memory_space<vmem>>, vector<1x1x576xf32>
    %get3A_29 = vector.shape_cast %get3A_28 : vector<1x1x576xf32> to vector<1x576xf32>
    %add3A_30 = vector.broadcast %get3A_29 : vector<1x576xf32> to vector<2048x576xf32>
    %add3A_31 = vector.broadcast %get3A_12 : vector<2048x1xf32> to vector<2048x576xf32>
    %add3A_32 = arith.addf %add3A_30, %add3A_31 : vector<2048x576xf32>
    %sub3A = arith.subf %add3A_32, %dot_general3A_24 : vector<2048x576xf32>
    %reduce_min3A = arith.constant dense<0x7F800000> : vector<576xf32>
    %reduce_min3A_33 = vector.multi_reduction <minimumf>, %sub3A, %reduce_min3A [0] : vector<2048x576xf32> to vector<576xf32>
    %broadcast_in_dim3A = vector.shape_cast %reduce_min3A_33 : vector<576xf32> to vector<1x576xf32>
    %argmin3A = tpu.reduce_index %sub3A {axis = 0 : i32, kind = #tpu.reduction_kind<arg_min>} : vector<2048x576xf32> -> vector<576xi32>
    %convert_element_type3A_34 = arith.sitofp %argmin3A : vector<576xi32> to vector<576xf32>
    %broadcast_in_dim3A_35 = vector.shape_cast %convert_element_type3A_34 : vector<576xf32> to vector<1x576xf32>
    %eq3A_36 = arith.constant 0 : i32
    %eq3A_37 = arith.cmpi eq, %arg1, %eq3A_36 : i32
    %convert_element_type3A_38 = arith.extui %eq3A_37 : i1 to i32
    %cond3A_39 = arith.constant 0 : i32
    %cond3A_40 = arith.cmpi ne, %convert_element_type3A_38, %cond3A_39 : i32
    scf.if %cond3A_40 {
      %swap3A = arith.constant 0 : index
      %swap3A_274 = arith.constant 0 : index
      %swap3A_275 = arith.constant 0 : index
      %swap3A_276 = vector.load %arg5[%swap3A, %swap3A_274, %swap3A_275] : memref<8x1x576xf32, #tpu.memory_space<vmem>>, vector<1x1x576xf32>
      %swap3A_277 = vector.shape_cast %swap3A_276 : vector<1x1x576xf32> to vector<1x576xf32>
      %swap3A_278 = vector.shape_cast %broadcast_in_dim3A : vector<1x576xf32> to vector<1x1x576xf32>
      tpu.vector_store %arg5[%swap3A, %swap3A_274, %swap3A_275], %swap3A_278 {strides = array<i32>} : memref<8x1x576xf32, #tpu.memory_space<vmem>>, vector<1x1x576xf32>,
      %swap3A_279 = arith.constant 0 : index
      %swap3A_280 = arith.constant 0 : index
      %swap3A_281 = arith.constant 0 : index
      %swap3A_282 = vector.load %arg6[%swap3A_279, %swap3A_280, %swap3A_281] : memref<8x1x576xf32, #tpu.memory_space<vmem>>, vector<1x1x576xf32>
      %swap3A_283 = vector.shape_cast %swap3A_282 : vector<1x1x576xf32> to vector<1x576xf32>
      %swap3A_284 = vector.shape_cast %broadcast_in_dim3A_35 : vector<1x576xf32> to vector<1x1x576xf32>
      tpu.vector_store %arg6[%swap3A_279, %swap3A_280, %swap3A_281], %swap3A_284 {strides = array<i32>} : memref<8x1x576xf32, #tpu.memory_space<vmem>>, vector<1x1x576xf32>,
    } else {
    }
    %gt3A = arith.constant 0 : i32
    %gt3A_41 = arith.cmpi sgt, %arg1, %gt3A : i32
    %convert_element_type3A_42 = arith.extui %gt3A_41 : i1 to i32
    %cond3A_43 = arith.constant 0 : i32
    %cond3A_44 = arith.cmpi ne, %convert_element_type3A_42, %cond3A_43 : i32
    scf.if %cond3A_44 {
      %get3A_274 = arith.constant 0 : index
      %get3A_275 = arith.constant 0 : index
      %get3A_276 = arith.constant 0 : index
      %get3A_277 = vector.load %arg5[%get3A_274, %get3A_275, %get3A_276] : memref<8x1x576xf32, #tpu.memory_space<vmem>>, vector<1x1x576xf32>
      %get3A_278 = vector.shape_cast %get3A_277 : vector<1x1x576xf32> to vector<1x576xf32>
      %lt3A = arith.cmpf olt, %broadcast_in_dim3A, %get3A_278 : vector<1x576xf32>
      %get3A_279 = arith.constant 0 : index
      %get3A_280 = arith.constant 0 : index
      %get3A_281 = arith.constant 0 : index
      %get3A_282 = vector.load %arg5[%get3A_279, %get3A_280, %get3A_281] : memref<8x1x576xf32, #tpu.memory_space<vmem>>, vector<1x1x576xf32>
      %get3A_283 = vector.shape_cast %get3A_282 : vector<1x1x576xf32> to vector<1x576xf32>
      %select_n3A = arith.select %lt3A, %broadcast_in_dim3A, %get3A_283 : vector<1x576xi1>, vector<1x576xf32>
      %swap3A = arith.constant 0 : index
      %swap3A_284 = arith.constant 0 : index
      %swap3A_285 = arith.constant 0 : index
      %swap3A_286 = vector.load %arg5[%swap3A, %swap3A_284, %swap3A_285] : memref<8x1x576xf32, #tpu.memory_space<vmem>>, vector<1x1x576xf32>
      %swap3A_287 = vector.shape_cast %swap3A_286 : vector<1x1x576xf32> to vector<1x576xf32>
      %swap3A_288 = vector.shape_cast %select_n3A : vector<1x576xf32> to vector<1x1x576xf32>
      tpu.vector_store %arg5[%swap3A, %swap3A_284, %swap3A_285], %swap3A_288 {strides = array<i32>} : memref<8x1x576xf32, #tpu.memory_space<vmem>>, vector<1x1x576xf32>,
      %add3A_289 = vector.broadcast %convert_element_type3A_8 : f32 to vector<1x576xf32>
      %add3A_290 = arith.addf %broadcast_in_dim3A_35, %add3A_289 : vector<1x576xf32>
      %get3A_291 = arith.constant 0 : index
      %get3A_292 = arith.constant 0 : index
      %get3A_293 = arith.constant 0 : index
      %get3A_294 = vector.load %arg6[%get3A_291, %get3A_292, %get3A_293] : memref<8x1x576xf32, #tpu.memory_space<vmem>>, vector<1x1x576xf32>
      %get3A_295 = vector.shape_cast %get3A_294 : vector<1x1x576xf32> to vector<1x576xf32>
      %select_n3A_296 = arith.select %lt3A, %add3A_290, %get3A_295 : vector<1x576xi1>, vector<1x576xf32>
      %swap3A_297 = arith.constant 0 : index
      %swap3A_298 = arith.constant 0 : index
      %swap3A_299 = arith.constant 0 : index
      %swap3A_300 = vector.load %arg6[%swap3A_297, %swap3A_298, %swap3A_299] : memref<8x1x576xf32, #tpu.memory_space<vmem>>, vector<1x1x576xf32>
      %swap3A_301 = vector.shape_cast %swap3A_300 : vector<1x1x576xf32> to vector<1x576xf32>
      %swap3A_302 = vector.shape_cast %select_n3A_296 : vector<1x576xf32> to vector<1x1x576xf32>
      tpu.vector_store %arg6[%swap3A_297, %swap3A_298, %swap3A_299], %swap3A_302 {strides = array<i32>} : memref<8x1x576xf32, #tpu.memory_space<vmem>>, vector<1x1x576xf32>,
    } else {
    }
    %get3A_45 = arith.constant 1 : index
    %get3A_46 = arith.constant 0 : index
    %get3A_47 = arith.constant 0 : index
    %get3A_48 = vector.load %arg2[%get3A_45, %get3A_46, %get3A_47] : memref<8x256x576xf32, #tpu.memory_space<vmem>>, vector<1x256x576xf32>
    %get3A_49 = vector.shape_cast %get3A_48 : vector<1x256x576xf32> to vector<256x576xf32>
    %dot_general3A_50 = arith.constant dense<0.000000e+00> : vector<2048x576xf32>
    %dot_general3A_51 = tpu.matmul %add3A, %get3A_49, %dot_general3A_50 {dimension_numbers = #tpu.dot_dimension_numbers<[1], [0], [0], [1], [0, 0, 1, 1], [], []>, transpose_lhs_hint = false} : vector<2048x256xf32>, vector<256x576xf32>, vector<2048x576xf32> -> vector<2048x576xf32>
    %get3A_52 = arith.constant 1 : index
    %get3A_53 = arith.constant 0 : index
    %get3A_54 = arith.constant 0 : index
    %get3A_55 = vector.load %arg7[%get3A_52, %get3A_53, %get3A_54] : memref<8x1x576xf32, #tpu.memory_space<vmem>>, vector<1x1x576xf32>
    %get3A_56 = vector.shape_cast %get3A_55 : vector<1x1x576xf32> to vector<1x576xf32>
    %add3A_57 = vector.broadcast %get3A_56 : vector<1x576xf32> to vector<2048x576xf32>
    %add3A_58 = vector.broadcast %get3A_12 : vector<2048x1xf32> to vector<2048x576xf32>
    %add3A_59 = arith.addf %add3A_57, %add3A_58 : vector<2048x576xf32>
    %sub3A_60 = arith.subf %add3A_59, %dot_general3A_51 : vector<2048x576xf32>
    %reduce_min3A_61 = arith.constant dense<0x7F800000> : vector<576xf32>
    %reduce_min3A_62 = vector.multi_reduction <minimumf>, %sub3A_60, %reduce_min3A_61 [0] : vector<2048x576xf32> to vector<576xf32>
    %broadcast_in_dim3A_63 = vector.shape_cast %reduce_min3A_62 : vector<576xf32> to vector<1x576xf32>
    %argmin3A_64 = tpu.reduce_index %sub3A_60 {axis = 0 : i32, kind = #tpu.reduction_kind<arg_min>} : vector<2048x576xf32> -> vector<576xi32>
    %convert_element_type3A_65 = arith.sitofp %argmin3A_64 : vector<576xi32> to vector<576xf32>
    %broadcast_in_dim3A_66 = vector.shape_cast %convert_element_type3A_65 : vector<576xf32> to vector<1x576xf32>
    %eq3A_67 = arith.constant 0 : i32
    %eq3A_68 = arith.cmpi eq, %arg1, %eq3A_67 : i32
    %convert_element_type3A_69 = arith.extui %eq3A_68 : i1 to i32
    %cond3A_70 = arith.constant 0 : i32
    %cond3A_71 = arith.cmpi ne, %convert_element_type3A_69, %cond3A_70 : i32
    scf.if %cond3A_71 {
      %swap3A = arith.constant 1 : index
      %swap3A_274 = arith.constant 0 : index
      %swap3A_275 = arith.constant 0 : index
      %swap3A_276 = vector.load %arg5[%swap3A, %swap3A_274, %swap3A_275] : memref<8x1x576xf32, #tpu.memory_space<vmem>>, vector<1x1x576xf32>
      %swap3A_277 = vector.shape_cast %swap3A_276 : vector<1x1x576xf32> to vector<1x576xf32>
      %swap3A_278 = vector.shape_cast %broadcast_in_dim3A_63 : vector<1x576xf32> to vector<1x1x576xf32>
      tpu.vector_store %arg5[%swap3A, %swap3A_274, %swap3A_275], %swap3A_278 {strides = array<i32>} : memref<8x1x576xf32, #tpu.memory_space<vmem>>, vector<1x1x576xf32>,
      %swap3A_279 = arith.constant 1 : index
      %swap3A_280 = arith.constant 0 : index
      %swap3A_281 = arith.constant 0 : index
      %swap3A_282 = vector.load %arg6[%swap3A_279, %swap3A_280, %swap3A_281] : memref<8x1x576xf32, #tpu.memory_space<vmem>>, vector<1x1x576xf32>
      %swap3A_283 = vector.shape_cast %swap3A_282 : vector<1x1x576xf32> to vector<1x576xf32>
      %swap3A_284 = vector.shape_cast %broadcast_in_dim3A_66 : vector<1x576xf32> to vector<1x1x576xf32>
      tpu.vector_store %arg6[%swap3A_279, %swap3A_280, %swap3A_281], %swap3A_284 {strides = array<i32>} : memref<8x1x576xf32, #tpu.memory_space<vmem>>, vector<1x1x576xf32>,
    } else {
    }
    %gt3A_72 = arith.constant 0 : i32
    %gt3A_73 = arith.cmpi sgt, %arg1, %gt3A_72 : i32
    %convert_element_type3A_74 = arith.extui %gt3A_73 : i1 to i32
    %cond3A_75 = arith.constant 0 : i32
    %cond3A_76 = arith.cmpi ne, %convert_element_type3A_74, %cond3A_75 : i32
    scf.if %cond3A_76 {
      %get3A_274 = arith.constant 1 : index
      %get3A_275 = arith.constant 0 : index
      %get3A_276 = arith.constant 0 : index
      %get3A_277 = vector.load %arg5[%get3A_274, %get3A_275, %get3A_276] : memref<8x1x576xf32, #tpu.memory_space<vmem>>, vector<1x1x576xf32>
      %get3A_278 = vector.shape_cast %get3A_277 : vector<1x1x576xf32> to vector<1x576xf32>
      %lt3A = arith.cmpf olt, %broadcast_in_dim3A_63, %get3A_278 : vector<1x576xf32>
      %get3A_279 = arith.constant 1 : index
      %get3A_280 = arith.constant 0 : index
      %get3A_281 = arith.constant 0 : index
      %get3A_282 = vector.load %arg5[%get3A_279, %get3A_280, %get3A_281] : memref<8x1x576xf32, #tpu.memory_space<vmem>>, vector<1x1x576xf32>
      %get3A_283 = vector.shape_cast %get3A_282 : vector<1x1x576xf32> to vector<1x576xf32>
      %select_n3A = arith.select %lt3A, %broadcast_in_dim3A_63, %get3A_283 : vector<1x576xi1>, vector<1x576xf32>
      %swap3A = arith.constant 1 : index
      %swap3A_284 = arith.constant 0 : index
      %swap3A_285 = arith.constant 0 : index
      %swap3A_286 = vector.load %arg5[%swap3A, %swap3A_284, %swap3A_285] : memref<8x1x576xf32, #tpu.memory_space<vmem>>, vector<1x1x576xf32>
      %swap3A_287 = vector.shape_cast %swap3A_286 : vector<1x1x576xf32> to vector<1x576xf32>
      %swap3A_288 = vector.shape_cast %select_n3A : vector<1x576xf32> to vector<1x1x576xf32>
      tpu.vector_store %arg5[%swap3A, %swap3A_284, %swap3A_285], %swap3A_288 {strides = array<i32>} : memref<8x1x576xf32, #tpu.memory_space<vmem>>, vector<1x1x576xf32>,
      %add3A_289 = vector.broadcast %convert_element_type3A_8 : f32 to vector<1x576xf32>
      %add3A_290 = arith.addf %broadcast_in_dim3A_66, %add3A_289 : vector<1x576xf32>
      %get3A_291 = arith.constant 1 : index
      %get3A_292 = arith.constant 0 : index
      %get3A_293 = arith.constant 0 : index
      %get3A_294 = vector.load %arg6[%get3A_291, %get3A_292, %get3A_293] : memref<8x1x576xf32, #tpu.memory_space<vmem>>, vector<1x1x576xf32>
      %get3A_295 = vector.shape_cast %get3A_294 : vector<1x1x576xf32> to vector<1x576xf32>
      %select_n3A_296 = arith.select %lt3A, %add3A_290, %get3A_295 : vector<1x576xi1>, vector<1x576xf32>
      %swap3A_297 = arith.constant 1 : index
      %swap3A_298 = arith.constant 0 : index
      %swap3A_299 = arith.constant 0 : index
      %swap3A_300 = vector.load %arg6[%swap3A_297, %swap3A_298, %swap3A_299] : memref<8x1x576xf32, #tpu.memory_space<vmem>>, vector<1x1x576xf32>
      %swap3A_301 = vector.shape_cast %swap3A_300 : vector<1x1x576xf32> to vector<1x576xf32>
      %swap3A_302 = vector.shape_cast %select_n3A_296 : vector<1x576xf32> to vector<1x1x576xf32>
      tpu.vector_store %arg6[%swap3A_297, %swap3A_298, %swap3A_299], %swap3A_302 {strides = array<i32>} : memref<8x1x576xf32, #tpu.memory_space<vmem>>, vector<1x1x576xf32>,
    } else {
    }
    %get3A_77 = arith.constant 2 : index
    %get3A_78 = arith.constant 0 : index
    %get3A_79 = arith.constant 0 : index
    %get3A_80 = vector.load %arg2[%get3A_77, %get3A_78, %get3A_79] : memref<8x256x576xf32, #tpu.memory_space<vmem>>, vector<1x256x576xf32>
    %get3A_81 = vector.shape_cast %get3A_80 : vector<1x256x576xf32> to vector<256x576xf32>
    %dot_general3A_82 = arith.constant dense<0.000000e+00> : vector<2048x576xf32>
    %dot_general3A_83 = tpu.matmul %add3A, %get3A_81, %dot_general3A_82 {dimension_numbers = #tpu.dot_dimension_numbers<[1], [0], [0], [1], [0, 0, 1, 1], [], []>, transpose_lhs_hint = false} : vector<2048x256xf32>, vector<256x576xf32>, vector<2048x576xf32> -> vector<2048x576xf32>
    %get3A_84 = arith.constant 2 : index
    %get3A_85 = arith.constant 0 : index
    %get3A_86 = arith.constant 0 : index
    %get3A_87 = vector.load %arg7[%get3A_84, %get3A_85, %get3A_86] : memref<8x1x576xf32, #tpu.memory_space<vmem>>, vector<1x1x576xf32>
    %get3A_88 = vector.shape_cast %get3A_87 : vector<1x1x576xf32> to vector<1x576xf32>
    %add3A_89 = vector.broadcast %get3A_88 : vector<1x576xf32> to vector<2048x576xf32>
    %add3A_90 = vector.broadcast %get3A_12 : vector<2048x1xf32> to vector<2048x576xf32>
    %add3A_91 = arith.addf %add3A_89, %add3A_90 : vector<2048x576xf32>
    %sub3A_92 = arith.subf %add3A_91, %dot_general3A_83 : vector<2048x576xf32>
    %reduce_min3A_93 = arith.constant dense<0x7F800000> : vector<576xf32>
    %reduce_min3A_94 = vector.multi_reduction <minimumf>, %sub3A_92, %reduce_min3A_93 [0] : vector<2048x576xf32> to vector<576xf32>
    %broadcast_in_dim3A_95 = vector.shape_cast %reduce_min3A_94 : vector<576xf32> to vector<1x576xf32>
    %argmin3A_96 = tpu.reduce_index %sub3A_92 {axis = 0 : i32, kind = #tpu.reduction_kind<arg_min>} : vector<2048x576xf32> -> vector<576xi32>
    %convert_element_type3A_97 = arith.sitofp %argmin3A_96 : vector<576xi32> to vector<576xf32>
    %broadcast_in_dim3A_98 = vector.shape_cast %convert_element_type3A_97 : vector<576xf32> to vector<1x576xf32>
    %eq3A_99 = arith.constant 0 : i32
    %eq3A_100 = arith.cmpi eq, %arg1, %eq3A_99 : i32
    %convert_element_type3A_101 = arith.extui %eq3A_100 : i1 to i32
    %cond3A_102 = arith.constant 0 : i32
    %cond3A_103 = arith.cmpi ne, %convert_element_type3A_101, %cond3A_102 : i32
    scf.if %cond3A_103 {
      %swap3A = arith.constant 2 : index
      %swap3A_274 = arith.constant 0 : index
      %swap3A_275 = arith.constant 0 : index
      %swap3A_276 = vector.load %arg5[%swap3A, %swap3A_274, %swap3A_275] : memref<8x1x576xf32, #tpu.memory_space<vmem>>, vector<1x1x576xf32>
      %swap3A_277 = vector.shape_cast %swap3A_276 : vector<1x1x576xf32> to vector<1x576xf32>
      %swap3A_278 = vector.shape_cast %broadcast_in_dim3A_95 : vector<1x576xf32> to vector<1x1x576xf32>
      tpu.vector_store %arg5[%swap3A, %swap3A_274, %swap3A_275], %swap3A_278 {strides = array<i32>} : memref<8x1x576xf32, #tpu.memory_space<vmem>>, vector<1x1x576xf32>,
      %swap3A_279 = arith.constant 2 : index
      %swap3A_280 = arith.constant 0 : index
      %swap3A_281 = arith.constant 0 : index
      %swap3A_282 = vector.load %arg6[%swap3A_279, %swap3A_280, %swap3A_281] : memref<8x1x576xf32, #tpu.memory_space<vmem>>, vector<1x1x576xf32>
      %swap3A_283 = vector.shape_cast %swap3A_282 : vector<1x1x576xf32> to vector<1x576xf32>
      %swap3A_284 = vector.shape_cast %broadcast_in_dim3A_98 : vector<1x576xf32> to vector<1x1x576xf32>
      tpu.vector_store %arg6[%swap3A_279, %swap3A_280, %swap3A_281], %swap3A_284 {strides = array<i32>} : memref<8x1x576xf32, #tpu.memory_space<vmem>>, vector<1x1x576xf32>,
    } else {
    }
    %gt3A_104 = arith.constant 0 : i32
    %gt3A_105 = arith.cmpi sgt, %arg1, %gt3A_104 : i32
    %convert_element_type3A_106 = arith.extui %gt3A_105 : i1 to i32
    %cond3A_107 = arith.constant 0 : i32
    %cond3A_108 = arith.cmpi ne, %convert_element_type3A_106, %cond3A_107 : i32
    scf.if %cond3A_108 {
      %get3A_274 = arith.constant 2 : index
      %get3A_275 = arith.constant 0 : index
      %get3A_276 = arith.constant 0 : index
      %get3A_277 = vector.load %arg5[%get3A_274, %get3A_275, %get3A_276] : memref<8x1x576xf32, #tpu.memory_space<vmem>>, vector<1x1x576xf32>
      %get3A_278 = vector.shape_cast %get3A_277 : vector<1x1x576xf32> to vector<1x576xf32>
      %lt3A = arith.cmpf olt, %broadcast_in_dim3A_95, %get3A_278 : vector<1x576xf32>
      %get3A_279 = arith.constant 2 : index
      %get3A_280 = arith.constant 0 : index
      %get3A_281 = arith.constant 0 : index
      %get3A_282 = vector.load %arg5[%get3A_279, %get3A_280, %get3A_281] : memref<8x1x576xf32, #tpu.memory_space<vmem>>, vector<1x1x576xf32>
      %get3A_283 = vector.shape_cast %get3A_282 : vector<1x1x576xf32> to vector<1x576xf32>
      %select_n3A = arith.select %lt3A, %broadcast_in_dim3A_95, %get3A_283 : vector<1x576xi1>, vector<1x576xf32>
      %swap3A = arith.constant 2 : index
      %swap3A_284 = arith.constant 0 : index
      %swap3A_285 = arith.constant 0 : index
      %swap3A_286 = vector.load %arg5[%swap3A, %swap3A_284, %swap3A_285] : memref<8x1x576xf32, #tpu.memory_space<vmem>>, vector<1x1x576xf32>
      %swap3A_287 = vector.shape_cast %swap3A_286 : vector<1x1x576xf32> to vector<1x576xf32>
      %swap3A_288 = vector.shape_cast %select_n3A : vector<1x576xf32> to vector<1x1x576xf32>
      tpu.vector_store %arg5[%swap3A, %swap3A_284, %swap3A_285], %swap3A_288 {strides = array<i32>} : memref<8x1x576xf32, #tpu.memory_space<vmem>>, vector<1x1x576xf32>,
      %add3A_289 = vector.broadcast %convert_element_type3A_8 : f32 to vector<1x576xf32>
      %add3A_290 = arith.addf %broadcast_in_dim3A_98, %add3A_289 : vector<1x576xf32>
      %get3A_291 = arith.constant 2 : index
      %get3A_292 = arith.constant 0 : index
      %get3A_293 = arith.constant 0 : index
      %get3A_294 = vector.load %arg6[%get3A_291, %get3A_292, %get3A_293] : memref<8x1x576xf32, #tpu.memory_space<vmem>>, vector<1x1x576xf32>
      %get3A_295 = vector.shape_cast %get3A_294 : vector<1x1x576xf32> to vector<1x576xf32>
      %select_n3A_296 = arith.select %lt3A, %add3A_290, %get3A_295 : vector<1x576xi1>, vector<1x576xf32>
      %swap3A_297 = arith.constant 2 : index
      %swap3A_298 = arith.constant 0 : index
      %swap3A_299 = arith.constant 0 : index
      %swap3A_300 = vector.load %arg6[%swap3A_297, %swap3A_298, %swap3A_299] : memref<8x1x576xf32, #tpu.memory_space<vmem>>, vector<1x1x576xf32>
      %swap3A_301 = vector.shape_cast %swap3A_300 : vector<1x1x576xf32> to vector<1x576xf32>
      %swap3A_302 = vector.shape_cast %select_n3A_296 : vector<1x576xf32> to vector<1x1x576xf32>
      tpu.vector_store %arg6[%swap3A_297, %swap3A_298, %swap3A_299], %swap3A_302 {strides = array<i32>} : memref<8x1x576xf32, #tpu.memory_space<vmem>>, vector<1x1x576xf32>,
    } else {
    }
    %get3A_109 = arith.constant 3 : index
    %get3A_110 = arith.constant 0 : index
    %get3A_111 = arith.constant 0 : index
    %get3A_112 = vector.load %arg2[%get3A_109, %get3A_110, %get3A_111] : memref<8x256x576xf32, #tpu.memory_space<vmem>>, vector<1x256x576xf32>
    %get3A_113 = vector.shape_cast %get3A_112 : vector<1x256x576xf32> to vector<256x576xf32>
    %dot_general3A_114 = arith.constant dense<0.000000e+00> : vector<2048x576xf32>
    %dot_general3A_115 = tpu.matmul %add3A, %get3A_113, %dot_general3A_114 {dimension_numbers = #tpu.dot_dimension_numbers<[1], [0], [0], [1], [0, 0, 1, 1], [], []>, transpose_lhs_hint = false} : vector<2048x256xf32>, vector<256x576xf32>, vector<2048x576xf32> -> vector<2048x576xf32>
    %get3A_116 = arith.constant 3 : index
    %get3A_117 = arith.constant 0 : index
    %get3A_118 = arith.constant 0 : index
    %get3A_119 = vector.load %arg7[%get3A_116, %get3A_117, %get3A_118] : memref<8x1x576xf32, #tpu.memory_space<vmem>>, vector<1x1x576xf32>
    %get3A_120 = vector.shape_cast %get3A_119 : vector<1x1x576xf32> to vector<1x576xf32>
    %add3A_121 = vector.broadcast %get3A_120 : vector<1x576xf32> to vector<2048x576xf32>
    %add3A_122 = vector.broadcast %get3A_12 : vector<2048x1xf32> to vector<2048x576xf32>
    %add3A_123 = arith.addf %add3A_121, %add3A_122 : vector<2048x576xf32>
    %sub3A_124 = arith.subf %add3A_123, %dot_general3A_115 : vector<2048x576xf32>
    %reduce_min3A_125 = arith.constant dense<0x7F800000> : vector<576xf32>
    %reduce_min3A_126 = vector.multi_reduction <minimumf>, %sub3A_124, %reduce_min3A_125 [0] : vector<2048x576xf32> to vector<576xf32>
    %broadcast_in_dim3A_127 = vector.shape_cast %reduce_min3A_126 : vector<576xf32> to vector<1x576xf32>
    %argmin3A_128 = tpu.reduce_index %sub3A_124 {axis = 0 : i32, kind = #tpu.reduction_kind<arg_min>} : vector<2048x576xf32> -> vector<576xi32>
    %convert_element_type3A_129 = arith.sitofp %argmin3A_128 : vector<576xi32> to vector<576xf32>
    %broadcast_in_dim3A_130 = vector.shape_cast %convert_element_type3A_129 : vector<576xf32> to vector<1x576xf32>
    %eq3A_131 = arith.constant 0 : i32
    %eq3A_132 = arith.cmpi eq, %arg1, %eq3A_131 : i32
    %convert_element_type3A_133 = arith.extui %eq3A_132 : i1 to i32
    %cond3A_134 = arith.constant 0 : i32
    %cond3A_135 = arith.cmpi ne, %convert_element_type3A_133, %cond3A_134 : i32
    scf.if %cond3A_135 {
      %swap3A = arith.constant 3 : index
      %swap3A_274 = arith.constant 0 : index
      %swap3A_275 = arith.constant 0 : index
      %swap3A_276 = vector.load %arg5[%swap3A, %swap3A_274, %swap3A_275] : memref<8x1x576xf32, #tpu.memory_space<vmem>>, vector<1x1x576xf32>
      %swap3A_277 = vector.shape_cast %swap3A_276 : vector<1x1x576xf32> to vector<1x576xf32>
      %swap3A_278 = vector.shape_cast %broadcast_in_dim3A_127 : vector<1x576xf32> to vector<1x1x576xf32>
      tpu.vector_store %arg5[%swap3A, %swap3A_274, %swap3A_275], %swap3A_278 {strides = array<i32>} : memref<8x1x576xf32, #tpu.memory_space<vmem>>, vector<1x1x576xf32>,
      %swap3A_279 = arith.constant 3 : index
      %swap3A_280 = arith.constant 0 : index
      %swap3A_281 = arith.constant 0 : index
      %swap3A_282 = vector.load %arg6[%swap3A_279, %swap3A_280, %swap3A_281] : memref<8x1x576xf32, #tpu.memory_space<vmem>>, vector<1x1x576xf32>
      %swap3A_283 = vector.shape_cast %swap3A_282 : vector<1x1x576xf32> to vector<1x576xf32>
      %swap3A_284 = vector.shape_cast %broadcast_in_dim3A_130 : vector<1x576xf32> to vector<1x1x576xf32>
      tpu.vector_store %arg6[%swap3A_279, %swap3A_280, %swap3A_281], %swap3A_284 {strides = array<i32>} : memref<8x1x576xf32, #tpu.memory_space<vmem>>, vector<1x1x576xf32>,
    } else {
    }
    %gt3A_136 = arith.constant 0 : i32
    %gt3A_137 = arith.cmpi sgt, %arg1, %gt3A_136 : i32
    %convert_element_type3A_138 = arith.extui %gt3A_137 : i1 to i32
    %cond3A_139 = arith.constant 0 : i32
    %cond3A_140 = arith.cmpi ne, %convert_element_type3A_138, %cond3A_139 : i32
    scf.if %cond3A_140 {
      %get3A_274 = arith.constant 3 : index
      %get3A_275 = arith.constant 0 : index
      %get3A_276 = arith.constant 0 : index
      %get3A_277 = vector.load %arg5[%get3A_274, %get3A_275, %get3A_276] : memref<8x1x576xf32, #tpu.memory_space<vmem>>, vector<1x1x576xf32>
      %get3A_278 = vector.shape_cast %get3A_277 : vector<1x1x576xf32> to vector<1x576xf32>
      %lt3A = arith.cmpf olt, %broadcast_in_dim3A_127, %get3A_278 : vector<1x576xf32>
      %get3A_279 = arith.constant 3 : index
      %get3A_280 = arith.constant 0 : index
      %get3A_281 = arith.constant 0 : index
      %get3A_282 = vector.load %arg5[%get3A_279, %get3A_280, %get3A_281] : memref<8x1x576xf32, #tpu.memory_space<vmem>>, vector<1x1x576xf32>
      %get3A_283 = vector.shape_cast %get3A_282 : vector<1x1x576xf32> to vector<1x576xf32>
      %select_n3A = arith.select %lt3A, %broadcast_in_dim3A_127, %get3A_283 : vector<1x576xi1>, vector<1x576xf32>
      %swap3A = arith.constant 3 : index
      %swap3A_284 = arith.constant 0 : index
      %swap3A_285 = arith.constant 0 : index
      %swap3A_286 = vector.load %arg5[%swap3A, %swap3A_284, %swap3A_285] : memref<8x1x576xf32, #tpu.memory_space<vmem>>, vector<1x1x576xf32>
      %swap3A_287 = vector.shape_cast %swap3A_286 : vector<1x1x576xf32> to vector<1x576xf32>
      %swap3A_288 = vector.shape_cast %select_n3A : vector<1x576xf32> to vector<1x1x576xf32>
      tpu.vector_store %arg5[%swap3A, %swap3A_284, %swap3A_285], %swap3A_288 {strides = array<i32>} : memref<8x1x576xf32, #tpu.memory_space<vmem>>, vector<1x1x576xf32>,
      %add3A_289 = vector.broadcast %convert_element_type3A_8 : f32 to vector<1x576xf32>
      %add3A_290 = arith.addf %broadcast_in_dim3A_130, %add3A_289 : vector<1x576xf32>
      %get3A_291 = arith.constant 3 : index
      %get3A_292 = arith.constant 0 : index
      %get3A_293 = arith.constant 0 : index
      %get3A_294 = vector.load %arg6[%get3A_291, %get3A_292, %get3A_293] : memref<8x1x576xf32, #tpu.memory_space<vmem>>, vector<1x1x576xf32>
      %get3A_295 = vector.shape_cast %get3A_294 : vector<1x1x576xf32> to vector<1x576xf32>
      %select_n3A_296 = arith.select %lt3A, %add3A_290, %get3A_295 : vector<1x576xi1>, vector<1x576xf32>
      %swap3A_297 = arith.constant 3 : index
      %swap3A_298 = arith.constant 0 : index
      %swap3A_299 = arith.constant 0 : index
      %swap3A_300 = vector.load %arg6[%swap3A_297, %swap3A_298, %swap3A_299] : memref<8x1x576xf32, #tpu.memory_space<vmem>>, vector<1x1x576xf32>
      %swap3A_301 = vector.shape_cast %swap3A_300 : vector<1x1x576xf32> to vector<1x576xf32>
      %swap3A_302 = vector.shape_cast %select_n3A_296 : vector<1x576xf32> to vector<1x1x576xf32>
      tpu.vector_store %arg6[%swap3A_297, %swap3A_298, %swap3A_299], %swap3A_302 {strides = array<i32>} : memref<8x1x576xf32, #tpu.memory_space<vmem>>, vector<1x1x576xf32>,
    } else {
    }
    %get3A_141 = arith.constant 4 : index
    %get3A_142 = arith.constant 0 : index
    %get3A_143 = arith.constant 0 : index
    %get3A_144 = vector.load %arg2[%get3A_141, %get3A_142, %get3A_143] : memref<8x256x576xf32, #tpu.memory_space<vmem>>, vector<1x256x576xf32>
    %get3A_145 = vector.shape_cast %get3A_144 : vector<1x256x576xf32> to vector<256x576xf32>
    %dot_general3A_146 = arith.constant dense<0.000000e+00> : vector<2048x576xf32>
    %dot_general3A_147 = tpu.matmul %add3A, %get3A_145, %dot_general3A_146 {dimension_numbers = #tpu.dot_dimension_numbers<[1], [0], [0], [1], [0, 0, 1, 1], [], []>, transpose_lhs_hint = false} : vector<2048x256xf32>, vector<256x576xf32>, vector<2048x576xf32> -> vector<2048x576xf32>
    %get3A_148 = arith.constant 4 : index
    %get3A_149 = arith.constant 0 : index
    %get3A_150 = arith.constant 0 : index
    %get3A_151 = vector.load %arg7[%get3A_148, %get3A_149, %get3A_150] : memref<8x1x576xf32, #tpu.memory_space<vmem>>, vector<1x1x576xf32>
    %get3A_152 = vector.shape_cast %get3A_151 : vector<1x1x576xf32> to vector<1x576xf32>
    %add3A_153 = vector.broadcast %get3A_152 : vector<1x576xf32> to vector<2048x576xf32>
    %add3A_154 = vector.broadcast %get3A_12 : vector<2048x1xf32> to vector<2048x576xf32>
    %add3A_155 = arith.addf %add3A_153, %add3A_154 : vector<2048x576xf32>
    %sub3A_156 = arith.subf %add3A_155, %dot_general3A_147 : vector<2048x576xf32>
    %reduce_min3A_157 = arith.constant dense<0x7F800000> : vector<576xf32>
    %reduce_min3A_158 = vector.multi_reduction <minimumf>, %sub3A_156, %reduce_min3A_157 [0] : vector<2048x576xf32> to vector<576xf32>
    %broadcast_in_dim3A_159 = vector.shape_cast %reduce_min3A_158 : vector<576xf32> to vector<1x576xf32>
    %argmin3A_160 = tpu.reduce_index %sub3A_156 {axis = 0 : i32, kind = #tpu.reduction_kind<arg_min>} : vector<2048x576xf32> -> vector<576xi32>
    %convert_element_type3A_161 = arith.sitofp %argmin3A_160 : vector<576xi32> to vector<576xf32>
    %broadcast_in_dim3A_162 = vector.shape_cast %convert_element_type3A_161 : vector<576xf32> to vector<1x576xf32>
    %eq3A_163 = arith.constant 0 : i32
    %eq3A_164 = arith.cmpi eq, %arg1, %eq3A_163 : i32
    %convert_element_type3A_165 = arith.extui %eq3A_164 : i1 to i32
    %cond3A_166 = arith.constant 0 : i32
    %cond3A_167 = arith.cmpi ne, %convert_element_type3A_165, %cond3A_166 : i32
    scf.if %cond3A_167 {
      %swap3A = arith.constant 4 : index
      %swap3A_274 = arith.constant 0 : index
      %swap3A_275 = arith.constant 0 : index
      %swap3A_276 = vector.load %arg5[%swap3A, %swap3A_274, %swap3A_275] : memref<8x1x576xf32, #tpu.memory_space<vmem>>, vector<1x1x576xf32>
      %swap3A_277 = vector.shape_cast %swap3A_276 : vector<1x1x576xf32> to vector<1x576xf32>
      %swap3A_278 = vector.shape_cast %broadcast_in_dim3A_159 : vector<1x576xf32> to vector<1x1x576xf32>
      tpu.vector_store %arg5[%swap3A, %swap3A_274, %swap3A_275], %swap3A_278 {strides = array<i32>} : memref<8x1x576xf32, #tpu.memory_space<vmem>>, vector<1x1x576xf32>,
      %swap3A_279 = arith.constant 4 : index
      %swap3A_280 = arith.constant 0 : index
      %swap3A_281 = arith.constant 0 : index
      %swap3A_282 = vector.load %arg6[%swap3A_279, %swap3A_280, %swap3A_281] : memref<8x1x576xf32, #tpu.memory_space<vmem>>, vector<1x1x576xf32>
      %swap3A_283 = vector.shape_cast %swap3A_282 : vector<1x1x576xf32> to vector<1x576xf32>
      %swap3A_284 = vector.shape_cast %broadcast_in_dim3A_162 : vector<1x576xf32> to vector<1x1x576xf32>
      tpu.vector_store %arg6[%swap3A_279, %swap3A_280, %swap3A_281], %swap3A_284 {strides = array<i32>} : memref<8x1x576xf32, #tpu.memory_space<vmem>>, vector<1x1x576xf32>,
    } else {
    }
    %gt3A_168 = arith.constant 0 : i32
    %gt3A_169 = arith.cmpi sgt, %arg1, %gt3A_168 : i32
    %convert_element_type3A_170 = arith.extui %gt3A_169 : i1 to i32
    %cond3A_171 = arith.constant 0 : i32
    %cond3A_172 = arith.cmpi ne, %convert_element_type3A_170, %cond3A_171 : i32
    scf.if %cond3A_172 {
      %get3A_274 = arith.constant 4 : index
      %get3A_275 = arith.constant 0 : index
      %get3A_276 = arith.constant 0 : index
      %get3A_277 = vector.load %arg5[%get3A_274, %get3A_275, %get3A_276] : memref<8x1x576xf32, #tpu.memory_space<vmem>>, vector<1x1x576xf32>
      %get3A_278 = vector.shape_cast %get3A_277 : vector<1x1x576xf32> to vector<1x576xf32>
      %lt3A = arith.cmpf olt, %broadcast_in_dim3A_159, %get3A_278 : vector<1x576xf32>
      %get3A_279 = arith.constant 4 : index
      %get3A_280 = arith.constant 0 : index
      %get3A_281 = arith.constant 0 : index
      %get3A_282 = vector.load %arg5[%get3A_279, %get3A_280, %get3A_281] : memref<8x1x576xf32, #tpu.memory_space<vmem>>, vector<1x1x576xf32>
      %get3A_283 = vector.shape_cast %get3A_282 : vector<1x1x576xf32> to vector<1x576xf32>
      %select_n3A = arith.select %lt3A, %broadcast_in_dim3A_159, %get3A_283 : vector<1x576xi1>, vector<1x576xf32>
      %swap3A = arith.constant 4 : index
      %swap3A_284 = arith.constant 0 : index
      %swap3A_285 = arith.constant 0 : index
      %swap3A_286 = vector.load %arg5[%swap3A, %swap3A_284, %swap3A_285] : memref<8x1x576xf32, #tpu.memory_space<vmem>>, vector<1x1x576xf32>
      %swap3A_287 = vector.shape_cast %swap3A_286 : vector<1x1x576xf32> to vector<1x576xf32>
      %swap3A_288 = vector.shape_cast %select_n3A : vector<1x576xf32> to vector<1x1x576xf32>
      tpu.vector_store %arg5[%swap3A, %swap3A_284, %swap3A_285], %swap3A_288 {strides = array<i32>} : memref<8x1x576xf32, #tpu.memory_space<vmem>>, vector<1x1x576xf32>,
      %add3A_289 = vector.broadcast %convert_element_type3A_8 : f32 to vector<1x576xf32>
      %add3A_290 = arith.addf %broadcast_in_dim3A_162, %add3A_289 : vector<1x576xf32>
      %get3A_291 = arith.constant 4 : index
      %get3A_292 = arith.constant 0 : index
      %get3A_293 = arith.constant 0 : index
      %get3A_294 = vector.load %arg6[%get3A_291, %get3A_292, %get3A_293] : memref<8x1x576xf32, #tpu.memory_space<vmem>>, vector<1x1x576xf32>
      %get3A_295 = vector.shape_cast %get3A_294 : vector<1x1x576xf32> to vector<1x576xf32>
      %select_n3A_296 = arith.select %lt3A, %add3A_290, %get3A_295 : vector<1x576xi1>, vector<1x576xf32>
      %swap3A_297 = arith.constant 4 : index
      %swap3A_298 = arith.constant 0 : index
      %swap3A_299 = arith.constant 0 : index
      %swap3A_300 = vector.load %arg6[%swap3A_297, %swap3A_298, %swap3A_299] : memref<8x1x576xf32, #tpu.memory_space<vmem>>, vector<1x1x576xf32>
      %swap3A_301 = vector.shape_cast %swap3A_300 : vector<1x1x576xf32> to vector<1x576xf32>
      %swap3A_302 = vector.shape_cast %select_n3A_296 : vector<1x576xf32> to vector<1x1x576xf32>
      tpu.vector_store %arg6[%swap3A_297, %swap3A_298, %swap3A_299], %swap3A_302 {strides = array<i32>} : memref<8x1x576xf32, #tpu.memory_space<vmem>>, vector<1x1x576xf32>,
    } else {
    }
    %get3A_173 = arith.constant 5 : index
    %get3A_174 = arith.constant 0 : index
    %get3A_175 = arith.constant 0 : index
    %get3A_176 = vector.load %arg2[%get3A_173, %get3A_174, %get3A_175] : memref<8x256x576xf32, #tpu.memory_space<vmem>>, vector<1x256x576xf32>
    %get3A_177 = vector.shape_cast %get3A_176 : vector<1x256x576xf32> to vector<256x576xf32>
    %dot_general3A_178 = arith.constant dense<0.000000e+00> : vector<2048x576xf32>
    %dot_general3A_179 = tpu.matmul %add3A, %get3A_177, %dot_general3A_178 {dimension_numbers = #tpu.dot_dimension_numbers<[1], [0], [0], [1], [0, 0, 1, 1], [], []>, transpose_lhs_hint = false} : vector<2048x256xf32>, vector<256x576xf32>, vector<2048x576xf32> -> vector<2048x576xf32>
    %get3A_180 = arith.constant 5 : index
    %get3A_181 = arith.constant 0 : index
    %get3A_182 = arith.constant 0 : index
    %get3A_183 = vector.load %arg7[%get3A_180, %get3A_181, %get3A_182] : memref<8x1x576xf32, #tpu.memory_space<vmem>>, vector<1x1x576xf32>
    %get3A_184 = vector.shape_cast %get3A_183 : vector<1x1x576xf32> to vector<1x576xf32>
    %add3A_185 = vector.broadcast %get3A_184 : vector<1x576xf32> to vector<2048x576xf32>
    %add3A_186 = vector.broadcast %get3A_12 : vector<2048x1xf32> to vector<2048x576xf32>
    %add3A_187 = arith.addf %add3A_185, %add3A_186 : vector<2048x576xf32>
    %sub3A_188 = arith.subf %add3A_187, %dot_general3A_179 : vector<2048x576xf32>
    %reduce_min3A_189 = arith.constant dense<0x7F800000> : vector<576xf32>
    %reduce_min3A_190 = vector.multi_reduction <minimumf>, %sub3A_188, %reduce_min3A_189 [0] : vector<2048x576xf32> to vector<576xf32>
    %broadcast_in_dim3A_191 = vector.shape_cast %reduce_min3A_190 : vector<576xf32> to vector<1x576xf32>
    %argmin3A_192 = tpu.reduce_index %sub3A_188 {axis = 0 : i32, kind = #tpu.reduction_kind<arg_min>} : vector<2048x576xf32> -> vector<576xi32>
    %convert_element_type3A_193 = arith.sitofp %argmin3A_192 : vector<576xi32> to vector<576xf32>
    %broadcast_in_dim3A_194 = vector.shape_cast %convert_element_type3A_193 : vector<576xf32> to vector<1x576xf32>
    %eq3A_195 = arith.constant 0 : i32
    %eq3A_196 = arith.cmpi eq, %arg1, %eq3A_195 : i32
    %convert_element_type3A_197 = arith.extui %eq3A_196 : i1 to i32
    %cond3A_198 = arith.constant 0 : i32
    %cond3A_199 = arith.cmpi ne, %convert_element_type3A_197, %cond3A_198 : i32
    scf.if %cond3A_199 {
      %swap3A = arith.constant 5 : index
      %swap3A_274 = arith.constant 0 : index
      %swap3A_275 = arith.constant 0 : index
      %swap3A_276 = vector.load %arg5[%swap3A, %swap3A_274, %swap3A_275] : memref<8x1x576xf32, #tpu.memory_space<vmem>>, vector<1x1x576xf32>
      %swap3A_277 = vector.shape_cast %swap3A_276 : vector<1x1x576xf32> to vector<1x576xf32>
      %swap3A_278 = vector.shape_cast %broadcast_in_dim3A_191 : vector<1x576xf32> to vector<1x1x576xf32>
      tpu.vector_store %arg5[%swap3A, %swap3A_274, %swap3A_275], %swap3A_278 {strides = array<i32>} : memref<8x1x576xf32, #tpu.memory_space<vmem>>, vector<1x1x576xf32>,
      %swap3A_279 = arith.constant 5 : index
      %swap3A_280 = arith.constant 0 : index
      %swap3A_281 = arith.constant 0 : index
      %swap3A_282 = vector.load %arg6[%swap3A_279, %swap3A_280, %swap3A_281] : memref<8x1x576xf32, #tpu.memory_space<vmem>>, vector<1x1x576xf32>
      %swap3A_283 = vector.shape_cast %swap3A_282 : vector<1x1x576xf32> to vector<1x576xf32>
      %swap3A_284 = vector.shape_cast %broadcast_in_dim3A_194 : vector<1x576xf32> to vector<1x1x576xf32>
      tpu.vector_store %arg6[%swap3A_279, %swap3A_280, %swap3A_281], %swap3A_284 {strides = array<i32>} : memref<8x1x576xf32, #tpu.memory_space<vmem>>, vector<1x1x576xf32>,
    } else {
    }
    %gt3A_200 = arith.constant 0 : i32
    %gt3A_201 = arith.cmpi sgt, %arg1, %gt3A_200 : i32
    %convert_element_type3A_202 = arith.extui %gt3A_201 : i1 to i32
    %cond3A_203 = arith.constant 0 : i32
    %cond3A_204 = arith.cmpi ne, %convert_element_type3A_202, %cond3A_203 : i32
    scf.if %cond3A_204 {
      %get3A_274 = arith.constant 5 : index
      %get3A_275 = arith.constant 0 : index
      %get3A_276 = arith.constant 0 : index
      %get3A_277 = vector.load %arg5[%get3A_274, %get3A_275, %get3A_276] : memref<8x1x576xf32, #tpu.memory_space<vmem>>, vector<1x1x576xf32>
      %get3A_278 = vector.shape_cast %get3A_277 : vector<1x1x576xf32> to vector<1x576xf32>
      %lt3A = arith.cmpf olt, %broadcast_in_dim3A_191, %get3A_278 : vector<1x576xf32>
      %get3A_279 = arith.constant 5 : index
      %get3A_280 = arith.constant 0 : index
      %get3A_281 = arith.constant 0 : index
      %get3A_282 = vector.load %arg5[%get3A_279, %get3A_280, %get3A_281] : memref<8x1x576xf32, #tpu.memory_space<vmem>>, vector<1x1x576xf32>
      %get3A_283 = vector.shape_cast %get3A_282 : vector<1x1x576xf32> to vector<1x576xf32>
      %select_n3A = arith.select %lt3A, %broadcast_in_dim3A_191, %get3A_283 : vector<1x576xi1>, vector<1x576xf32>
      %swap3A = arith.constant 5 : index
      %swap3A_284 = arith.constant 0 : index
      %swap3A_285 = arith.constant 0 : index
      %swap3A_286 = vector.load %arg5[%swap3A, %swap3A_284, %swap3A_285] : memref<8x1x576xf32, #tpu.memory_space<vmem>>, vector<1x1x576xf32>
      %swap3A_287 = vector.shape_cast %swap3A_286 : vector<1x1x576xf32> to vector<1x576xf32>
      %swap3A_288 = vector.shape_cast %select_n3A : vector<1x576xf32> to vector<1x1x576xf32>
      tpu.vector_store %arg5[%swap3A, %swap3A_284, %swap3A_285], %swap3A_288 {strides = array<i32>} : memref<8x1x576xf32, #tpu.memory_space<vmem>>, vector<1x1x576xf32>,
      %add3A_289 = vector.broadcast %convert_element_type3A_8 : f32 to vector<1x576xf32>
      %add3A_290 = arith.addf %broadcast_in_dim3A_194, %add3A_289 : vector<1x576xf32>
      %get3A_291 = arith.constant 5 : index
      %get3A_292 = arith.constant 0 : index
      %get3A_293 = arith.constant 0 : index
      %get3A_294 = vector.load %arg6[%get3A_291, %get3A_292, %get3A_293] : memref<8x1x576xf32, #tpu.memory_space<vmem>>, vector<1x1x576xf32>
      %get3A_295 = vector.shape_cast %get3A_294 : vector<1x1x576xf32> to vector<1x576xf32>
      %select_n3A_296 = arith.select %lt3A, %add3A_290, %get3A_295 : vector<1x576xi1>, vector<1x576xf32>
      %swap3A_297 = arith.constant 5 : index
      %swap3A_298 = arith.constant 0 : index
      %swap3A_299 = arith.constant 0 : index
      %swap3A_300 = vector.load %arg6[%swap3A_297, %swap3A_298, %swap3A_299] : memref<8x1x576xf32, #tpu.memory_space<vmem>>, vector<1x1x576xf32>
      %swap3A_301 = vector.shape_cast %swap3A_300 : vector<1x1x576xf32> to vector<1x576xf32>
      %swap3A_302 = vector.shape_cast %select_n3A_296 : vector<1x576xf32> to vector<1x1x576xf32>
      tpu.vector_store %arg6[%swap3A_297, %swap3A_298, %swap3A_299], %swap3A_302 {strides = array<i32>} : memref<8x1x576xf32, #tpu.memory_space<vmem>>, vector<1x1x576xf32>,
    } else {
    }
    %get3A_205 = arith.constant 6 : index
    %get3A_206 = arith.constant 0 : index
    %get3A_207 = arith.constant 0 : index
    %get3A_208 = vector.load %arg2[%get3A_205, %get3A_206, %get3A_207] : memref<8x256x576xf32, #tpu.memory_space<vmem>>, vector<1x256x576xf32>
    %get3A_209 = vector.shape_cast %get3A_208 : vector<1x256x576xf32> to vector<256x576xf32>
    %dot_general3A_210 = arith.constant dense<0.000000e+00> : vector<2048x576xf32>
    %dot_general3A_211 = tpu.matmul %add3A, %get3A_209, %dot_general3A_210 {dimension_numbers = #tpu.dot_dimension_numbers<[1], [0], [0], [1], [0, 0, 1, 1], [], []>, transpose_lhs_hint = false} : vector<2048x256xf32>, vector<256x576xf32>, vector<2048x576xf32> -> vector<2048x576xf32>
    %get3A_212 = arith.constant 6 : index
    %get3A_213 = arith.constant 0 : index
    %get3A_214 = arith.constant 0 : index
    %get3A_215 = vector.load %arg7[%get3A_212, %get3A_213, %get3A_214] : memref<8x1x576xf32, #tpu.memory_space<vmem>>, vector<1x1x576xf32>
    %get3A_216 = vector.shape_cast %get3A_215 : vector<1x1x576xf32> to vector<1x576xf32>
    %add3A_217 = vector.broadcast %get3A_216 : vector<1x576xf32> to vector<2048x576xf32>
    %add3A_218 = vector.broadcast %get3A_12 : vector<2048x1xf32> to vector<2048x576xf32>
    %add3A_219 = arith.addf %add3A_217, %add3A_218 : vector<2048x576xf32>
    %sub3A_220 = arith.subf %add3A_219, %dot_general3A_211 : vector<2048x576xf32>
    %reduce_min3A_221 = arith.constant dense<0x7F800000> : vector<576xf32>
    %reduce_min3A_222 = vector.multi_reduction <minimumf>, %sub3A_220, %reduce_min3A_221 [0] : vector<2048x576xf32> to vector<576xf32>
    %broadcast_in_dim3A_223 = vector.shape_cast %reduce_min3A_222 : vector<576xf32> to vector<1x576xf32>
    %argmin3A_224 = tpu.reduce_index %sub3A_220 {axis = 0 : i32, kind = #tpu.reduction_kind<arg_min>} : vector<2048x576xf32> -> vector<576xi32>
    %convert_element_type3A_225 = arith.sitofp %argmin3A_224 : vector<576xi32> to vector<576xf32>
    %broadcast_in_dim3A_226 = vector.shape_cast %convert_element_type3A_225 : vector<576xf32> to vector<1x576xf32>
    %eq3A_227 = arith.constant 0 : i32
    %eq3A_228 = arith.cmpi eq, %arg1, %eq3A_227 : i32
    %convert_element_type3A_229 = arith.extui %eq3A_228 : i1 to i32
    %cond3A_230 = arith.constant 0 : i32
    %cond3A_231 = arith.cmpi ne, %convert_element_type3A_229, %cond3A_230 : i32
    scf.if %cond3A_231 {
      %swap3A = arith.constant 6 : index
      %swap3A_274 = arith.constant 0 : index
      %swap3A_275 = arith.constant 0 : index
      %swap3A_276 = vector.load %arg5[%swap3A, %swap3A_274, %swap3A_275] : memref<8x1x576xf32, #tpu.memory_space<vmem>>, vector<1x1x576xf32>
      %swap3A_277 = vector.shape_cast %swap3A_276 : vector<1x1x576xf32> to vector<1x576xf32>
      %swap3A_278 = vector.shape_cast %broadcast_in_dim3A_223 : vector<1x576xf32> to vector<1x1x576xf32>
      tpu.vector_store %arg5[%swap3A, %swap3A_274, %swap3A_275], %swap3A_278 {strides = array<i32>} : memref<8x1x576xf32, #tpu.memory_space<vmem>>, vector<1x1x576xf32>,
      %swap3A_279 = arith.constant 6 : index
      %swap3A_280 = arith.constant 0 : index
      %swap3A_281 = arith.constant 0 : index
      %swap3A_282 = vector.load %arg6[%swap3A_279, %swap3A_280, %swap3A_281] : memref<8x1x576xf32, #tpu.memory_space<vmem>>, vector<1x1x576xf32>
      %swap3A_283 = vector.shape_cast %swap3A_282 : vector<1x1x576xf32> to vector<1x576xf32>
      %swap3A_284 = vector.shape_cast %broadcast_in_dim3A_226 : vector<1x576xf32> to vector<1x1x576xf32>
      tpu.vector_store %arg6[%swap3A_279, %swap3A_280, %swap3A_281], %swap3A_284 {strides = array<i32>} : memref<8x1x576xf32, #tpu.memory_space<vmem>>, vector<1x1x576xf32>,
    } else {
    }
    %gt3A_232 = arith.constant 0 : i32
    %gt3A_233 = arith.cmpi sgt, %arg1, %gt3A_232 : i32
    %convert_element_type3A_234 = arith.extui %gt3A_233 : i1 to i32
    %cond3A_235 = arith.constant 0 : i32
    %cond3A_236 = arith.cmpi ne, %convert_element_type3A_234, %cond3A_235 : i32
    scf.if %cond3A_236 {
      %get3A_274 = arith.constant 6 : index
      %get3A_275 = arith.constant 0 : index
      %get3A_276 = arith.constant 0 : index
      %get3A_277 = vector.load %arg5[%get3A_274, %get3A_275, %get3A_276] : memref<8x1x576xf32, #tpu.memory_space<vmem>>, vector<1x1x576xf32>
      %get3A_278 = vector.shape_cast %get3A_277 : vector<1x1x576xf32> to vector<1x576xf32>
      %lt3A = arith.cmpf olt, %broadcast_in_dim3A_223, %get3A_278 : vector<1x576xf32>
      %get3A_279 = arith.constant 6 : index
      %get3A_280 = arith.constant 0 : index
      %get3A_281 = arith.constant 0 : index
      %get3A_282 = vector.load %arg5[%get3A_279, %get3A_280, %get3A_281] : memref<8x1x576xf32, #tpu.memory_space<vmem>>, vector<1x1x576xf32>
      %get3A_283 = vector.shape_cast %get3A_282 : vector<1x1x576xf32> to vector<1x576xf32>
      %select_n3A = arith.select %lt3A, %broadcast_in_dim3A_223, %get3A_283 : vector<1x576xi1>, vector<1x576xf32>
      %swap3A = arith.constant 6 : index
      %swap3A_284 = arith.constant 0 : index
      %swap3A_285 = arith.constant 0 : index
      %swap3A_286 = vector.load %arg5[%swap3A, %swap3A_284, %swap3A_285] : memref<8x1x576xf32, #tpu.memory_space<vmem>>, vector<1x1x576xf32>
      %swap3A_287 = vector.shape_cast %swap3A_286 : vector<1x1x576xf32> to vector<1x576xf32>
      %swap3A_288 = vector.shape_cast %select_n3A : vector<1x576xf32> to vector<1x1x576xf32>
      tpu.vector_store %arg5[%swap3A, %swap3A_284, %swap3A_285], %swap3A_288 {strides = array<i32>} : memref<8x1x576xf32, #tpu.memory_space<vmem>>, vector<1x1x576xf32>,
      %add3A_289 = vector.broadcast %convert_element_type3A_8 : f32 to vector<1x576xf32>
      %add3A_290 = arith.addf %broadcast_in_dim3A_226, %add3A_289 : vector<1x576xf32>
      %get3A_291 = arith.constant 6 : index
      %get3A_292 = arith.constant 0 : index
      %get3A_293 = arith.constant 0 : index
      %get3A_294 = vector.load %arg6[%get3A_291, %get3A_292, %get3A_293] : memref<8x1x576xf32, #tpu.memory_space<vmem>>, vector<1x1x576xf32>
      %get3A_295 = vector.shape_cast %get3A_294 : vector<1x1x576xf32> to vector<1x576xf32>
      %select_n3A_296 = arith.select %lt3A, %add3A_290, %get3A_295 : vector<1x576xi1>, vector<1x576xf32>
      %swap3A_297 = arith.constant 6 : index
      %swap3A_298 = arith.constant 0 : index
      %swap3A_299 = arith.constant 0 : index
      %swap3A_300 = vector.load %arg6[%swap3A_297, %swap3A_298, %swap3A_299] : memref<8x1x576xf32, #tpu.memory_space<vmem>>, vector<1x1x576xf32>
      %swap3A_301 = vector.shape_cast %swap3A_300 : vector<1x1x576xf32> to vector<1x576xf32>
      %swap3A_302 = vector.shape_cast %select_n3A_296 : vector<1x576xf32> to vector<1x1x576xf32>
      tpu.vector_store %arg6[%swap3A_297, %swap3A_298, %swap3A_299], %swap3A_302 {strides = array<i32>} : memref<8x1x576xf32, #tpu.memory_space<vmem>>, vector<1x1x576xf32>,
    } else {
    }
    %get3A_237 = arith.constant 7 : index
    %get3A_238 = arith.constant 0 : index
    %get3A_239 = arith.constant 0 : index
    %get3A_240 = vector.load %arg2[%get3A_237, %get3A_238, %get3A_239] : memref<8x256x576xf32, #tpu.memory_space<vmem>>, vector<1x256x576xf32>
    %get3A_241 = vector.shape_cast %get3A_240 : vector<1x256x576xf32> to vector<256x576xf32>
    %dot_general3A_242 = arith.constant dense<0.000000e+00> : vector<2048x576xf32>
    %dot_general3A_243 = tpu.matmul %add3A, %get3A_241, %dot_general3A_242 {dimension_numbers = #tpu.dot_dimension_numbers<[1], [0], [0], [1], [0, 0, 1, 1], [], []>, transpose_lhs_hint = false} : vector<2048x256xf32>, vector<256x576xf32>, vector<2048x576xf32> -> vector<2048x576xf32>
    %get3A_244 = arith.constant 7 : index
    %get3A_245 = arith.constant 0 : index
    %get3A_246 = arith.constant 0 : index
    %get3A_247 = vector.load %arg7[%get3A_244, %get3A_245, %get3A_246] : memref<8x1x576xf32, #tpu.memory_space<vmem>>, vector<1x1x576xf32>
    %get3A_248 = vector.shape_cast %get3A_247 : vector<1x1x576xf32> to vector<1x576xf32>
    %add3A_249 = vector.broadcast %get3A_248 : vector<1x576xf32> to vector<2048x576xf32>
    %add3A_250 = vector.broadcast %get3A_12 : vector<2048x1xf32> to vector<2048x576xf32>
    %add3A_251 = arith.addf %add3A_249, %add3A_250 : vector<2048x576xf32>
    %sub3A_252 = arith.subf %add3A_251, %dot_general3A_243 : vector<2048x576xf32>
    %reduce_min3A_253 = arith.constant dense<0x7F800000> : vector<576xf32>
    %reduce_min3A_254 = vector.multi_reduction <minimumf>, %sub3A_252, %reduce_min3A_253 [0] : vector<2048x576xf32> to vector<576xf32>
    %broadcast_in_dim3A_255 = vector.shape_cast %reduce_min3A_254 : vector<576xf32> to vector<1x576xf32>
    %argmin3A_256 = tpu.reduce_index %sub3A_252 {axis = 0 : i32, kind = #tpu.reduction_kind<arg_min>} : vector<2048x576xf32> -> vector<576xi32>
    %convert_element_type3A_257 = arith.sitofp %argmin3A_256 : vector<576xi32> to vector<576xf32>
    %broadcast_in_dim3A_258 = vector.shape_cast %convert_element_type3A_257 : vector<576xf32> to vector<1x576xf32>
    %eq3A_259 = arith.constant 0 : i32
    %eq3A_260 = arith.cmpi eq, %arg1, %eq3A_259 : i32
    %convert_element_type3A_261 = arith.extui %eq3A_260 : i1 to i32
    %cond3A_262 = arith.constant 0 : i32
    %cond3A_263 = arith.cmpi ne, %convert_element_type3A_261, %cond3A_262 : i32
    scf.if %cond3A_263 {
      %swap3A = arith.constant 7 : index
      %swap3A_274 = arith.constant 0 : index
      %swap3A_275 = arith.constant 0 : index
      %swap3A_276 = vector.load %arg5[%swap3A, %swap3A_274, %swap3A_275] : memref<8x1x576xf32, #tpu.memory_space<vmem>>, vector<1x1x576xf32>
      %swap3A_277 = vector.shape_cast %swap3A_276 : vector<1x1x576xf32> to vector<1x576xf32>
      %swap3A_278 = vector.shape_cast %broadcast_in_dim3A_255 : vector<1x576xf32> to vector<1x1x576xf32>
      tpu.vector_store %arg5[%swap3A, %swap3A_274, %swap3A_275], %swap3A_278 {strides = array<i32>} : memref<8x1x576xf32, #tpu.memory_space<vmem>>, vector<1x1x576xf32>,
      %swap3A_279 = arith.constant 7 : index
      %swap3A_280 = arith.constant 0 : index
      %swap3A_281 = arith.constant 0 : index
      %swap3A_282 = vector.load %arg6[%swap3A_279, %swap3A_280, %swap3A_281] : memref<8x1x576xf32, #tpu.memory_space<vmem>>, vector<1x1x576xf32>
      %swap3A_283 = vector.shape_cast %swap3A_282 : vector<1x1x576xf32> to vector<1x576xf32>
      %swap3A_284 = vector.shape_cast %broadcast_in_dim3A_258 : vector<1x576xf32> to vector<1x1x576xf32>
      tpu.vector_store %arg6[%swap3A_279, %swap3A_280, %swap3A_281], %swap3A_284 {strides = array<i32>} : memref<8x1x576xf32, #tpu.memory_space<vmem>>, vector<1x1x576xf32>,
    } else {
    }
    %gt3A_264 = arith.constant 0 : i32
    %gt3A_265 = arith.cmpi sgt, %arg1, %gt3A_264 : i32
    %convert_element_type3A_266 = arith.extui %gt3A_265 : i1 to i32
    %cond3A_267 = arith.constant 0 : i32
    %cond3A_268 = arith.cmpi ne, %convert_element_type3A_266, %cond3A_267 : i32
    scf.if %cond3A_268 {
      %get3A_274 = arith.constant 7 : index
      %get3A_275 = arith.constant 0 : index
      %get3A_276 = arith.constant 0 : index
      %get3A_277 = vector.load %arg5[%get3A_274, %get3A_275, %get3A_276] : memref<8x1x576xf32, #tpu.memory_space<vmem>>, vector<1x1x576xf32>
      %get3A_278 = vector.shape_cast %get3A_277 : vector<1x1x576xf32> to vector<1x576xf32>
      %lt3A = arith.cmpf olt, %broadcast_in_dim3A_255, %get3A_278 : vector<1x576xf32>
      %get3A_279 = arith.constant 7 : index
      %get3A_280 = arith.constant 0 : index
      %get3A_281 = arith.constant 0 : index
      %get3A_282 = vector.load %arg5[%get3A_279, %get3A_280, %get3A_281] : memref<8x1x576xf32, #tpu.memory_space<vmem>>, vector<1x1x576xf32>
      %get3A_283 = vector.shape_cast %get3A_282 : vector<1x1x576xf32> to vector<1x576xf32>
      %select_n3A = arith.select %lt3A, %broadcast_in_dim3A_255, %get3A_283 : vector<1x576xi1>, vector<1x576xf32>
      %swap3A = arith.constant 7 : index
      %swap3A_284 = arith.constant 0 : index
      %swap3A_285 = arith.constant 0 : index
      %swap3A_286 = vector.load %arg5[%swap3A, %swap3A_284, %swap3A_285] : memref<8x1x576xf32, #tpu.memory_space<vmem>>, vector<1x1x576xf32>
      %swap3A_287 = vector.shape_cast %swap3A_286 : vector<1x1x576xf32> to vector<1x576xf32>
      %swap3A_288 = vector.shape_cast %select_n3A : vector<1x576xf32> to vector<1x1x576xf32>
      tpu.vector_store %arg5[%swap3A, %swap3A_284, %swap3A_285], %swap3A_288 {strides = array<i32>} : memref<8x1x576xf32, #tpu.memory_space<vmem>>, vector<1x1x576xf32>,
      %add3A_289 = vector.broadcast %convert_element_type3A_8 : f32 to vector<1x576xf32>
      %add3A_290 = arith.addf %broadcast_in_dim3A_258, %add3A_289 : vector<1x576xf32>
      %get3A_291 = arith.constant 7 : index
      %get3A_292 = arith.constant 0 : index
      %get3A_293 = arith.constant 0 : index
      %get3A_294 = vector.load %arg6[%get3A_291, %get3A_292, %get3A_293] : memref<8x1x576xf32, #tpu.memory_space<vmem>>, vector<1x1x576xf32>
      %get3A_295 = vector.shape_cast %get3A_294 : vector<1x1x576xf32> to vector<1x576xf32>
      %select_n3A_296 = arith.select %lt3A, %add3A_290, %get3A_295 : vector<1x576xi1>, vector<1x576xf32>
      %swap3A_297 = arith.constant 7 : index
      %swap3A_298 = arith.constant 0 : index
      %swap3A_299 = arith.constant 0 : index
      %swap3A_300 = vector.load %arg6[%swap3A_297, %swap3A_298, %swap3A_299] : memref<8x1x576xf32, #tpu.memory_space<vmem>>, vector<1x1x576xf32>
      %swap3A_301 = vector.shape_cast %swap3A_300 : vector<1x1x576xf32> to vector<1x576xf32>
      %swap3A_302 = vector.shape_cast %select_n3A_296 : vector<1x576xf32> to vector<1x1x576xf32>
      tpu.vector_store %arg6[%swap3A_297, %swap3A_298, %swap3A_299], %swap3A_302 {strides = array<i32>} : memref<8x1x576xf32, #tpu.memory_space<vmem>>, vector<1x1x576xf32>,
    } else {
    }
    %eq3A_269 = arith.constant 3 : i32
    %eq3A_270 = arith.cmpi eq, %arg1, %eq3A_269 : i32
    %convert_element_type3A_271 = arith.extui %eq3A_270 : i1 to i32
    %cond3A_272 = arith.constant 0 : i32
    %cond3A_273 = arith.cmpi ne, %convert_element_type3A_271, %cond3A_272 : i32
    scf.if %cond3A_273 {
      %get3A_274 = arith.constant 0 : index
      %get3A_275 = arith.constant 0 : index
      %get3A_276 = arith.constant 0 : index
      %get3A_277 = vector.load %arg6[%get3A_274, %get3A_275, %get3A_276] : memref<8x1x576xf32, #tpu.memory_space<vmem>>, vector<1x1x576xf32>
      %get3A_278 = vector.shape_cast %get3A_277 : vector<1x1x576xf32> to vector<1x576xf32>
      %convert_element_type3A_279 = arith.fptosi %get3A_278 : vector<1x576xf32> to vector<1x576xi32>
      %swap3A = arith.constant 0 : index
      %swap3A_280 = arith.constant 0 : index
      %swap3A_281 = arith.constant 0 : index
      %swap3A_282 = vector.load %arg4[%swap3A, %swap3A_280, %swap3A_281] : memref<8x1x576xi32, #tpu.memory_space<vmem>>, vector<1x1x576xi32>
      %swap3A_283 = vector.shape_cast %swap3A_282 : vector<1x1x576xi32> to vector<1x576xi32>
      %swap3A_284 = vector.shape_cast %convert_element_type3A_279 : vector<1x576xi32> to vector<1x1x576xi32>
      tpu.vector_store %arg4[%swap3A, %swap3A_280, %swap3A_281], %swap3A_284 {strides = array<i32>} : memref<8x1x576xi32, #tpu.memory_space<vmem>>, vector<1x1x576xi32>,
      %get3A_285 = arith.constant 1 : index
      %get3A_286 = arith.constant 0 : index
      %get3A_287 = arith.constant 0 : index
      %get3A_288 = vector.load %arg6[%get3A_285, %get3A_286, %get3A_287] : memref<8x1x576xf32, #tpu.memory_space<vmem>>, vector<1x1x576xf32>
      %get3A_289 = vector.shape_cast %get3A_288 : vector<1x1x576xf32> to vector<1x576xf32>
      %convert_element_type3A_290 = arith.fptosi %get3A_289 : vector<1x576xf32> to vector<1x576xi32>
      %swap3A_291 = arith.constant 1 : index
      %swap3A_292 = arith.constant 0 : index
      %swap3A_293 = arith.constant 0 : index
      %swap3A_294 = vector.load %arg4[%swap3A_291, %swap3A_292, %swap3A_293] : memref<8x1x576xi32, #tpu.memory_space<vmem>>, vector<1x1x576xi32>
      %swap3A_295 = vector.shape_cast %swap3A_294 : vector<1x1x576xi32> to vector<1x576xi32>
      %swap3A_296 = vector.shape_cast %convert_element_type3A_290 : vector<1x576xi32> to vector<1x1x576xi32>
      tpu.vector_store %arg4[%swap3A_291, %swap3A_292, %swap3A_293], %swap3A_296 {strides = array<i32>} : memref<8x1x576xi32, #tpu.memory_space<vmem>>, vector<1x1x576xi32>,
      %get3A_297 = arith.constant 2 : index
      %get3A_298 = arith.constant 0 : index
      %get3A_299 = arith.constant 0 : index
      %get3A_300 = vector.load %arg6[%get3A_297, %get3A_298, %get3A_299] : memref<8x1x576xf32, #tpu.memory_space<vmem>>, vector<1x1x576xf32>
      %get3A_301 = vector.shape_cast %get3A_300 : vector<1x1x576xf32> to vector<1x576xf32>
      %convert_element_type3A_302 = arith.fptosi %get3A_301 : vector<1x576xf32> to vector<1x576xi32>
      %swap3A_303 = arith.constant 2 : index
      %swap3A_304 = arith.constant 0 : index
      %swap3A_305 = arith.constant 0 : index
      %swap3A_306 = vector.load %arg4[%swap3A_303, %swap3A_304, %swap3A_305] : memref<8x1x576xi32, #tpu.memory_space<vmem>>, vector<1x1x576xi32>
      %swap3A_307 = vector.shape_cast %swap3A_306 : vector<1x1x576xi32> to vector<1x576xi32>
      %swap3A_308 = vector.shape_cast %convert_element_type3A_302 : vector<1x576xi32> to vector<1x1x576xi32>
      tpu.vector_store %arg4[%swap3A_303, %swap3A_304, %swap3A_305], %swap3A_308 {strides = array<i32>} : memref<8x1x576xi32, #tpu.memory_space<vmem>>, vector<1x1x576xi32>,
      %get3A_309 = arith.constant 3 : index
      %get3A_310 = arith.constant 0 : index
      %get3A_311 = arith.constant 0 : index
      %get3A_312 = vector.load %arg6[%get3A_309, %get3A_310, %get3A_311] : memref<8x1x576xf32, #tpu.memory_space<vmem>>, vector<1x1x576xf32>
      %get3A_313 = vector.shape_cast %get3A_312 : vector<1x1x576xf32> to vector<1x576xf32>
      %convert_element_type3A_314 = arith.fptosi %get3A_313 : vector<1x576xf32> to vector<1x576xi32>
      %swap3A_315 = arith.constant 3 : index
      %swap3A_316 = arith.constant 0 : index
      %swap3A_317 = arith.constant 0 : index
      %swap3A_318 = vector.load %arg4[%swap3A_315, %swap3A_316, %swap3A_317] : memref<8x1x576xi32, #tpu.memory_space<vmem>>, vector<1x1x576xi32>
      %swap3A_319 = vector.shape_cast %swap3A_318 : vector<1x1x576xi32> to vector<1x576xi32>
      %swap3A_320 = vector.shape_cast %convert_element_type3A_314 : vector<1x576xi32> to vector<1x1x576xi32>
      tpu.vector_store %arg4[%swap3A_315, %swap3A_316, %swap3A_317], %swap3A_320 {strides = array<i32>} : memref<8x1x576xi32, #tpu.memory_space<vmem>>, vector<1x1x576xi32>,
      %get3A_321 = arith.constant 4 : index
      %get3A_322 = arith.constant 0 : index
      %get3A_323 = arith.constant 0 : index
      %get3A_324 = vector.load %arg6[%get3A_321, %get3A_322, %get3A_323] : memref<8x1x576xf32, #tpu.memory_space<vmem>>, vector<1x1x576xf32>
      %get3A_325 = vector.shape_cast %get3A_324 : vector<1x1x576xf32> to vector<1x576xf32>
      %convert_element_type3A_326 = arith.fptosi %get3A_325 : vector<1x576xf32> to vector<1x576xi32>
      %swap3A_327 = arith.constant 4 : index
      %swap3A_328 = arith.constant 0 : index
      %swap3A_329 = arith.constant 0 : index
      %swap3A_330 = vector.load %arg4[%swap3A_327, %swap3A_328, %swap3A_329] : memref<8x1x576xi32, #tpu.memory_space<vmem>>, vector<1x1x576xi32>
      %swap3A_331 = vector.shape_cast %swap3A_330 : vector<1x1x576xi32> to vector<1x576xi32>
      %swap3A_332 = vector.shape_cast %convert_element_type3A_326 : vector<1x576xi32> to vector<1x1x576xi32>
      tpu.vector_store %arg4[%swap3A_327, %swap3A_328, %swap3A_329], %swap3A_332 {strides = array<i32>} : memref<8x1x576xi32, #tpu.memory_space<vmem>>, vector<1x1x576xi32>,
      %get3A_333 = arith.constant 5 : index
      %get3A_334 = arith.constant 0 : index
      %get3A_335 = arith.constant 0 : index
      %get3A_336 = vector.load %arg6[%get3A_333, %get3A_334, %get3A_335] : memref<8x1x576xf32, #tpu.memory_space<vmem>>, vector<1x1x576xf32>
      %get3A_337 = vector.shape_cast %get3A_336 : vector<1x1x576xf32> to vector<1x576xf32>
      %convert_element_type3A_338 = arith.fptosi %get3A_337 : vector<1x576xf32> to vector<1x576xi32>
      %swap3A_339 = arith.constant 5 : index
      %swap3A_340 = arith.constant 0 : index
      %swap3A_341 = arith.constant 0 : index
      %swap3A_342 = vector.load %arg4[%swap3A_339, %swap3A_340, %swap3A_341] : memref<8x1x576xi32, #tpu.memory_space<vmem>>, vector<1x1x576xi32>
      %swap3A_343 = vector.shape_cast %swap3A_342 : vector<1x1x576xi32> to vector<1x576xi32>
      %swap3A_344 = vector.shape_cast %convert_element_type3A_338 : vector<1x576xi32> to vector<1x1x576xi32>
      tpu.vector_store %arg4[%swap3A_339, %swap3A_340, %swap3A_341], %swap3A_344 {strides = array<i32>} : memref<8x1x576xi32, #tpu.memory_space<vmem>>, vector<1x1x576xi32>,
      %get3A_345 = arith.constant 6 : index
      %get3A_346 = arith.constant 0 : index
      %get3A_347 = arith.constant 0 : index
      %get3A_348 = vector.load %arg6[%get3A_345, %get3A_346, %get3A_347] : memref<8x1x576xf32, #tpu.memory_space<vmem>>, vector<1x1x576xf32>
      %get3A_349 = vector.shape_cast %get3A_348 : vector<1x1x576xf32> to vector<1x576xf32>
      %convert_element_type3A_350 = arith.fptosi %get3A_349 : vector<1x576xf32> to vector<1x576xi32>
      %swap3A_351 = arith.constant 6 : index
      %swap3A_352 = arith.constant 0 : index
      %swap3A_353 = arith.constant 0 : index
      %swap3A_354 = vector.load %arg4[%swap3A_351, %swap3A_352, %swap3A_353] : memref<8x1x576xi32, #tpu.memory_space<vmem>>, vector<1x1x576xi32>
      %swap3A_355 = vector.shape_cast %swap3A_354 : vector<1x1x576xi32> to vector<1x576xi32>
      %swap3A_356 = vector.shape_cast %convert_element_type3A_350 : vector<1x576xi32> to vector<1x1x576xi32>
      tpu.vector_store %arg4[%swap3A_351, %swap3A_352, %swap3A_353], %swap3A_356 {strides = array<i32>} : memref<8x1x576xi32, #tpu.memory_space<vmem>>, vector<1x1x576xi32>,
      %get3A_357 = arith.constant 7 : index
      %get3A_358 = arith.constant 0 : index
      %get3A_359 = arith.constant 0 : index
      %get3A_360 = vector.load %arg6[%get3A_357, %get3A_358, %get3A_359] : memref<8x1x576xf32, #tpu.memory_space<vmem>>, vector<1x1x576xf32>
      %get3A_361 = vector.shape_cast %get3A_360 : vector<1x1x576xf32> to vector<1x576xf32>
      %convert_element_type3A_362 = arith.fptosi %get3A_361 : vector<1x576xf32> to vector<1x576xi32>
      %swap3A_363 = arith.constant 7 : index
      %swap3A_364 = arith.constant 0 : index
      %swap3A_365 = arith.constant 0 : index
      %swap3A_366 = vector.load %arg4[%swap3A_363, %swap3A_364, %swap3A_365] : memref<8x1x576xi32, #tpu.memory_space<vmem>>, vector<1x1x576xi32>
      %swap3A_367 = vector.shape_cast %swap3A_366 : vector<1x1x576xi32> to vector<1x576xi32>
      %swap3A_368 = vector.shape_cast %convert_element_type3A_362 : vector<1x576xi32> to vector<1x1x576xi32>
      tpu.vector_store %arg4[%swap3A_363, %swap3A_364, %swap3A_365], %swap3A_368 {strides = array<i32>} : memref<8x1x576xi32, #tpu.memory_space<vmem>>, vector<1x1x576xi32>,
    } else {
    }
    return
  }
  func.func @transform_0(%arg0: i32, %arg1: i32) -> (i32, i32, i32) {
    %c0_i32 = arith.constant 0 : i32
    %c0_i32_0 = arith.constant 0 : i32
    %c0_i32_1 = arith.constant 0 : i32
    return %arg0, %c0_i32, %c0_i32_0 : i32, i32, i32
  }
  func.func @transform_1(%arg0: i32, %arg1: i32) -> (i32, i32) {
    %c0_i32 = arith.constant 0 : i32
    %c0_i32_0 = arith.constant 0 : i32
    return %arg1, %c0_i32 : i32, i32
  }
  func.func @transform_2(%arg0: i32, %arg1: i32) -> (i32, i32, i32) {
    %c0_i32 = arith.constant 0 : i32
    %c0_i32_0 = arith.constant 0 : i32
    %c0_i32_1 = arith.constant 0 : i32
    return %arg0, %c0_i32, %c0_i32_0 : i32, i32, i32
  }
}

</mosaic_0001>

<sc_bundles>
// kernel: kernel.5.cloned.1.call-start
scs
__scs_entry_jumppad:
0x0: {  	(pc) =	sbr.rel $0x88, $3  }
0x1: {  	(tag) =	ssettag $0x0;
	lr =	simm.s32 $0x1  }
0x2: {  	[smem:$0x3F9F] =	sst lr;
	_ =	strace $0xD0000000  }
0x3: {  	_ = 	snop  }
0x4: {  	_ = 	snop  }
0x5: {  	_ = 	snop  }
0x6: {  	_ = 	snop  }
0x7: {  	_ = 	snop  }
__scs_overlays_trampoline_lowered:
0x8: {  	[smem:$0x3FAE] =	sst s0  }
0x9: {  	[smem:$0x3FAF] =	sst s1  }
0xa: {  	[smem:$0x3FB0] =	sst s2  }
0xb: {  	[smem:$0x3FB1] =	sst s3  }
0xc: {  	[smem:$0x3FB2] =	sst s4  }
0xd: {  	[smem:$0x3FB3] =	sst s5  }
0xe: {  	[smem:$0x3FB4] =	sst s6  }
0xf: {  	[smem:$0x3FB5] =	sst s7  }
0x10: {  	[smem:$0x3FB6] =	sst s8  }
0x11: {  	[smem:$0x3FB7] =	sst s9;
	s0 =	simm.s32 @!p0 $0x0  }
0x12: {  	s1 =	sld [smem:$0x3F9D];
	s0 =	simm.s32 @p0 $0x1  }
0x13: {  	[smem:$0x3FB8] =	sst s0;
	s0 =	simm.s32 @!p1 $0x0  }
0x14: {  	s2 =	sld [smem:$0x3F9C];
	s0 =	simm.s32 @p1 $0x1  }
0x15: {  	[smem:$0x3FB9] =	sst s0;
	s0 =	simm.s32 @!p2 $0x0  }
0x16: {  	s3 =	sld [smem:$0x3FDB];
	s0 =	simm.s32 @p2 $0x1  }
0x17: {  	s4 =	simm.s32 $0x1BF5;
	[smem:$0x3FBB] =	sst s0  }
0x18: {  	s0 =	sld [smem:$0x3F9E];
	_ =	swait.ge [sflag:s4], $0x0  }
0x19: {  	s7 =	sld [smem:$0x3F9F]  }
0x1a: {  	s8 =	sadd.s32 $0xFFFFE003, lr  }
0x1b: {  	s9 =	sadd.s32 $0xFFFFFEF7, lr;
	s5 =	simm.s32 $0xFFFFFFFF;
	p2 =	slt.u32 s8, $0xFFFFF086  }
0x1c: {  	p1 =	slt.u32 s9, $0xF7A;
	s5 =	simm.s32 @!p2 $0x0  }
0x1d: {  	s5 =	simm.s32 @p1 $0x1;
	p0 =	seq.s32 s7, s2  }
0x1e: {  	s7 =	smul.u32 @!p0 $0xF7A, s2;
	p2 =	seq.s32 @!p0 s5, $0x0  }
0x1f: {  	s9 =	smul.u32 $0xF7A, s1;
	s8 =	simm.s32 @!p0 $0x1BF5;
	p2 =	por !p2, p0  }
0x20: {  	[sflag:s8] =	ssyncset.s32 @!p0 $0xFFFFF086;
	s6 =	sadd.s32 @!p0 s3, s7;
	s7 =	simm.s32 @!p0 $0x108  }
0x21: {  	s3 =	sadd.s32 s3, s9;
	s6 =	sadd.s32 @!p0 $0x88, s6;
	s7 =	simm.s32 @p2 $0x1082  }
0x22: {  	[simem:s7], [sflag:s8] =	dma.local @!p0 [hbm:s6], $0xF7A  }
0x23: {  	s9 =	sor.u32 $0xD0000000, s2;
	s6 =	simm.s32 $0x108;
	_ =	swait.ge @!p0 [sflag:s8], $0x0  }
0x24: {  	s3 =	sadd.s32 $0x88, s3;
	s6 =	simm.s32 @!p1 $0x1082;
	[sflag:s4] =	ssyncset.s32 $0xFFFFF086  }
0x25: {  	[simem:s6], [sflag:s4] =	dma.local [hbm:s3], $0xF7A  }
0x26: {  	[smem:$0x3F9F] =	sst s1;
	(tag) =	ssettag s2;
	_ =	strace s9  }
0x27: {  	s1 =	sld [smem:$0x3FAF]  }
0x28: {  	s2 =	sld [smem:$0x3FB0]  }
0x29: {  	s4 =	sld [smem:$0x3FB2]  }
0x2a: {  	p0 =	seq.s32 s5, $0x0;
	s5 =	sld [smem:$0x3FB3]  }
0x2b: {  	s6 =	sld [smem:$0x3FB4]  }
0x2c: {  	s7 =	sld [smem:$0x3FB5]  }
0x2d: {  	s3 =	simm.s32 $0x108;
	s8 =	sld [smem:$0x3FB6]  }
0x2e: {  	s3 =	simm.s32 @!p0 $0x1082;
	s9 =	sld [smem:$0x3FB7]  }
0x2f: {  	lr =	sadd.s32 s0, s3;
	s0 =	sld [smem:$0x3FAE]  }
0x30: {  	s3 =	sld [smem:$0x3FB1]  }
0x31: {  	[smem:$0x3FBA] =	sst s10  }
0x32: {  	s10 =	sld [smem:$0x3FB8];
	_ =	sdelay $0x3  }
0x33: {  	p0 =	seq.s32 s10, $0x1;
	s10 =	sld [smem:$0x3FBA];
	_ =	sdelay $0x3  }
0x34: {  	[smem:$0x3FBA] =	sst s10  }
0x35: {  	s10 =	sld [smem:$0x3FB9];
	_ =	sdelay $0x3  }
0x36: {  	p1 =	seq.s32 s10, $0x1;
	s10 =	sld [smem:$0x3FBA];
	_ =	sdelay $0x3  }
0x37: {  	[smem:$0x3FBA] =	sst s10  }
0x38: {  	s10 =	sld [smem:$0x3FBB]  }
0x39: {  	_ = 	snop;
	(pc) =	sbr.ind lr, $3  }
0x3a: {  	_ = 	snop  }
0x3b: {  	_ = 	snop  }
0x3c: {  	p2 =	seq.s32 s10, $0x1;
	s10 =	sld [smem:$0x3FBA]  }
0x3d: {  	_ =	shalt  }
0x3e: {  	_ =	shalt  }
0x3f: {  	_ =	shalt  }
0x40: {  	_ =	shalt  }
0x41: {  	_ =	shalt  }
0x42: {  	_ =	shalt  }
0x43: {  	_ =	shalt  }
0x44: {  	_ =	shalt  }
0x45: {  	_ =	shalt  }
0x46: {  	_ =	shalt  }
0x47: {  	_ =	shalt  }
0x48: {  	_ =	shalt  }
0x49: {  	_ =	shalt  }
0x4a: {  	_ =	shalt  }
0x4b: {  	_ =	shalt  }
0x4c: {  	_ =	shalt  }
0x4d: {  	_ =	shalt  }
0x4e: {  	_ =	shalt  }
0x4f: {  	_ =	shalt  }
0x50: {  	_ =	shalt  }
0x51: {  	_ =	shalt  }
0x52: {  	_ =	shalt  }
0x53: {  	_ =	shalt  }
0x54: {  	_ =	shalt  }
0x55: {  	_ =	shalt  }
0x56: {  	_ =	shalt  }
0x57: {  	_ =	shalt  }
0x58: {  	_ =	shalt  }
0x59: {  	_ =	shalt  }
0x5a: {  	_ =	shalt  }
0x5b: {  	_ =	shalt  }
0x5c: {  	_ =	shalt  }
0x5d: {  	_ =	shalt  }
0x5e: {  	_ =	shalt  }
0x5f: {  	_ =	shalt  }
0x60: {  	_ =	shalt  }
0x61: {  	_ =	shalt  }
0x62: {  	_ =	shalt  }
0x63: {  	_ =	shalt  }
0x64: {  	_ =	shalt  }
0x65: {  	_ =	shalt  }
0x66: {  	_ =	shalt  }
0x67: {  	_ =	shalt  }
0x68: {  	_ =	shalt  }
0x69: {  	_ =	shalt  }
0x6a: {  	_ =	shalt  }
0x6b: {  	_ =	shalt  }
0x6c: {  	_ =	shalt  }
0x6d: {  	_ =	shalt  }
0x6e: {  	_ =	shalt  }
0x6f: {  	_ =	shalt  }
0x70: {  	_ =	shalt  }
0x71: {  	_ =	shalt  }
0x72: {  	_ =	shalt  }
0x73: {  	_ =	shalt  }
0x74: {  	_ =	shalt  }
0x75: {  	_ =	shalt  }
0x76: {  	_ =	shalt  }
0x77: {  	_ =	shalt  }
0x78: {  	_ =	shalt  }
0x79: {  	_ =	shalt  }
0x7a: {  	_ =	shalt  }
0x7b: {  	_ =	shalt  }
0x7c: {  	_ =	shalt  }
0x7d: {  	_ =	shalt  }
0x7e: {  	_ =	shalt  }
0x7f: {  	_ =	shalt  }
0x80: {  	_ =	shalt  }
0x81: {  	_ =	shalt  }
0x82: {  	_ =	shalt  }
0x83: {  	_ =	shalt  }
0x84: {  	_ =	shalt  }
0x85: {  	_ =	shalt  }
0x86: {  	_ =	shalt  }
0x87: {  	_ =	shalt  }
.Lfunc_end0:
.L_simem_size_0:
called_computation_lowered:
.L_overlay_start_0:
0x88: {  	s2 =	sld [smem:$0x3FD9]  }
0x89: {  	s3 =	sld [smem:$0x3FFE];
	_ =	sdelay $0x1  }
0x8a: {  	s1 =	srdreg.scid  }
0x8b: {  	s0 =	sand.u32 $0x1, s1  }
0x8c: {  	s17 =	sshll.u32 s0, $0xA;
	s2 =	sadd.s32 s3, s2  }
0x8d: {  	s2 =	sadd.s32 s2, s17  }
0x8e: {  	[smem:$0x3FC6] =	sst s2  }
0x8f: {  	_ = 	snop  }
0x90: {  	s2 =	sld [smem:$0x3FC8]  }
0x91: {  	s18 =	sld [smem:$0x3FD0];
	(tm) =	ssettm $0x1  }
0x92: {  	s4 =	sld [smem:$0x3FFB];
	_ =	sdelay $0x3  }
0x93: {  	_ =	strace s4  }
0x94: {  	s4 =	sld [smem:$0x3FFC];
	_ =	sdelay $0x3  }
0x95: {  	_ =	strace s4  }
0x96: {  	s4 =	sld [smem:$0x3FFD];
	_ =	sdelay $0x3  }
0x97: {  	_ =	strace s4  }
0x98: {  	_ =	strace $0x8FFFFFFF  }
0x99: {  	s19 =	sld [smem:$0x3FDB];
	_ =	sdelay $0x1  }
0x9a: {  	s5 =	simm.s32 $_scs_section_size  }
0x9b: {  	s6 =	simm.s32 $_size__tile_overlayer_lowered;
	s7 =	simm.s32 $_tile_overlayer_lowered  }
0x9c: {  	s22 =	simm.s32 $0x1BFF;
	s21 =	sshll.u32 s7, $0x1;
	s4 =	sadd.s32 s5, s19  }
0x9d: {  	s8 =	simm.s32 $0x0;
	s20 =	sshll.u32 s6, $0x1;
	s6 =	sadd.s32 s21, s4  }
0x9e: {  	[timem:s8], [sflag:s22] =	dma.local [hbm:s6], s20  }
0x9f: {  	_ =	swait.ge [sflag:s22], s20  }
0xa0: {  	s5 =	ssub.s32 $0x0, s20;
	[sflag:s22] =	ssyncset.done $0x0  }
0xa1: {  	[sflag:s22] =	ssyncadd.s32 s5;
	_ =	sdelay $0x1  }
0xa2: {  	s23 =	simm.s32 $0x1B8B  }
0xa3: {  	_ =	swait.ge [sflag:s23], $0x1  }
0xa4: {  	[sflag:s23] =	ssyncset.done $0x0  }
0xa5: {  	s25 =	simm.s32 $0x1B8E;
	s24 =	sld [smem:$0x3FFE];
	[sflag:s23] =	ssyncadd.s32 $0xFFFFFFFF  }
0xa6: {  	s26 =	simm.s32 $execute0_lowered;
	[smem:$0x3FD2] =	sst s25  }
0xa7: {  	s6 =	sshll.u32 s26, $0x1;
	_ =	strace $0x80000046;
	[dreg:$0x1] =	wrdreg $0xFFFFFFFF  }
0xa8: {  	s28 =	simm.s32 $_size_execute0_lowered;
	s4 =	sadd.s32 s4, s6;
	[dreg:$0x0] =	wrdreg $0x0  }
0xa9: {  	s6 =	sshll.u32 s28, $0x1;
	[dreg:$0x2] =	wrdreg s4  }
0xaa: {  	[dreg:$0x3] =	wrdreg s6  }
0xab: {  	[dreg:$0x4] =	wrdreg $0xC0  }
0xac: {  	_ =	task [dreg:s8], $0x5FFFF  }
0xad: {  	[dreg:$0x1] =	wrdreg $0xFFFFFFFF  }
0xae: {  	[dreg:$0x0] =	wrdreg $0x60  }
0xaf: {  	[dreg:$0x2] =	wrdreg s24  }
0xb0: {  	[dreg:$0x3] =	wrdreg s2  }
0xb1: {  	[dreg:$0x4] =	wrdreg s18  }
0xb2: {  	[dreg:$0x5] =	wrdreg $0x9  }
0xb3: {  	_ =	task.clear_ibuf [dreg:s8], $0x6FFFF;
	_ =	strace $0x90000046  }
0xb4: {  	s29 =	simm.s32 $0x9;
	_ =	strace $0x80000048  }
0xb5: {  	_ =	swait.ge [sflag:s29], $0x1  }
0xb6: {  	[sflag:s29] =	ssyncadd.s32 $0xFFFFFFFF  }
0xb7: {  	_ =	strace $0x90000048  }
0xb8: {  	_ =	sfence  }
0xb9: {  	s30 =	sld [smem:$0x0];
	_ =	sdelay $0x2  }
0xba: {  	s31 =	sshll.u32 s1, $0xD;
	s1 =	sshrl.u32 s1, $0x2  }
0xbb: {  	s3 =	sand.u32 $0x4000, s31;
	s1 =	sadd.s32 s1, s30  }
0xbc: {  	s0 =	sor.u32 s3, s0;
	s1 =	sshll.u32 s1, $0x11  }
0xbd: {  	s0 =	sor.u32 s1, s0  }
0xbe: {  	s0 =	sadd.s32 $0x8F2B, s0  }
0xbf: {  	[sflag:s0] =	ssyncadd.remote.s32 $0x1  }
0xc0: {  	_ =	sfence.sel $0xFFFF  }
0xc1: {  	[dreg:$0x0] =	wrdreg $0xFFFFFFFF;
	(pc) =	sbr.abs _section_cstart, $3  }
0xc2: {  	[dreg:$0x1] =	wrdreg $0xFFFFFFFF  }
0xc3: {  	_ =	task.clear_ibuf [dreg:s8], $0x2FFFF;
	_ =	strace $0x9FFFFFFF  }
0xc4: {  	(tm) =	ssettm $0x7FFFFFFF  }
0xc5: {  	_ =	shalt  }
tec
execute0_lowered:
.L_overlay_start_1:
0x0: {  	(tag) =	ssettag $0x1  }
0x1: {  	s1 =	srdreg.scid;
	s0 =	stileid.u32  }
0x2: {  	s1 =	sand.u32 $0x1, s1;
	s2 =	sshll.u32 s0, $0x1  }
0x3: {  	s4 =	sor.u32 s1, s2  }
0x4: {  	p0 =	seq.s32 s1, $0x1;
	p1 =	seq.s32 s4, $0x0  }
0x5: {  	p1 =	por !p1, !p0  }
0x6: {  	s3 =	simm.s32 $0x1;
	s5 =	rddreg [dreg:$0x0];
	p1 =	por !p1, !p1  }
0x7: {  	s6 =	rddreg [dreg:$0x2];
	s8 =	smul.u32 $0x12000, s4;
	s3 =	simm.s32 @!p1 $0x0  }
0x8: {  	s2 =	rddreg [dreg:$0x1];
	s4 =	smul.u32 $0x2400, s4;
	s3 =	ssub.s32 s0, s3  }
0x9: {  	s9 =	sshrl.u32 s8, $0x3;
	s7 =	smul.u32 $0x280, s3;
	s3 =	simm.s32 $0x0  }
0xa: {  	s4 =	sadd.s32 s6, s4;
	s10 =	sadd.s32 s6, s9;
	[smem:$0x7FF] =	sst s3  }
0xb: {  	s11 =	sadd.s32 $0xC00, s10;
	_ =	strace $0x80000047;
	[dreg:$0x5] =	wrdreg s4  }
0xc: {  	s12 =	sadd.s32 $0x1800, s10;
	[dreg:$0x6] =	wrdreg s11  }
0xd: {  	s13 =	simm.s32 $0xA80;
	[dreg:$0x7] =	wrdreg s12  }
0xe: {  	s14 =	simm.s32 $0x1280;
	s15 =	simm.s32 $0x1A80;
	[dreg:$0x8] =	wrdreg s13  }
0xf: {  	s16 =	simm.s32 $0x2280;
	s17 =	simm.s32 $0x2A80;
	[dreg:$0x9] =	wrdreg s14  }
0x10: {  	s18 =	simm.s32 $0x3280;
	s20 =	simm.s32 $0x3A80;
	[dreg:$0xa] =	wrdreg s15  }
0x11: {  	s21 =	simm.s32 $0x4280;
	s22 =	simm.s32 $0x4A80;
	[dreg:$0xb] =	wrdreg s16  }
0x12: {  	s23 =	simm.s32 $0x5280;
	s24 =	simm.s32 $0x5A80;
	[dreg:$0xc] =	wrdreg s17  }
0x13: {  	s25 =	simm.s32 $0x6A80;
	s26 =	simm.s32 $0x7280;
	[dreg:$0xd] =	wrdreg s18  }
0x14: {  	s28 =	simm.s32 $0x10280;
	s29 =	simm.s32 $0x10A80;
	[dreg:$0xe] =	wrdreg s20  }
0x15: {  	s30 =	simm.s32 $0x11280;
	s1 =	ssub.s32 $0x2, s1;
	[dreg:$0xf] =	wrdreg s21  }
0x16: {  	s31 =	simm.s32 $0x11A80;
	s19 =	sshrl.u32 s1, $0x1;
	[dreg:$0x10] =	wrdreg s22  }
0x17: {  	s1 =	ssub.s32 s1, s19;
	s19 =	simm.s32 $0xC280;
	[dreg:$0x11] =	wrdreg s23  }
0x18: {  	s8 =	simm.s32 $0x280;
	s6 =	smax.u32 s1, $0x1;
	[dreg:$0x12] =	wrdreg s24  }
0x19: {  	s9 =	simm.s32 $0x6280;
	s1 =	simm.s32 $0x2;
	[dreg:$0x13] =	wrdreg s25  }
0x1a: {  	s7 =	sshrl.u32 s7, $0x3;
	s4 =	simm.s32 $0x1;
	[dreg:$0x14] =	wrdreg s26  }
0x1b: {  	s11 =	simm.s32 $0x8280;
	s12 =	simm.s32 $0x8A80;
	s13 =	simm.s32 $0x9280  }
0x1c: {  	s14 =	simm.s32 $0x9A80;
	s15 =	simm.s32 $0xA280;
	s16 =	simm.s32 $0xAA80  }
0x1d: {  	s17 =	simm.s32 $0xB280;
	s18 =	simm.s32 $0xBA80;
	s20 =	simm.s32 $0xCA80  }
0x1e: {  	s21 =	simm.s32 $0xD280;
	s22 =	simm.s32 $0xDA80;
	s5 =	sadd.s32 s7, s5  }
0x1f: {  	v2 =	vlaneseq.u32;
	s23 =	simm.s32 $0xE280;
	s24 =	simm.s32 $0xEA80;
	s5 =	sadd.s32 $0xA00, s5  }
0x20: {  	vm0 =	vmmov $0xffff;
	v1 =	vshrl.u32 v2, $0x3;
	s25 =	simm.s32 $0xF280;
	[dreg:$0x4] =	wrdreg s5;
	s5 =	simm.s32 $0x120  }
0x21: {  	v0 =	vand.u32 $0x7, v2;
	v2 =	vor.u32 $0x8, v2;
	v1 =	vmul.u32 $0x8, v1;
	s26 =	simm.s32 $0xFA80;
	s7 =	simm.s32 $0x3;
	s5 =	simm.s32 @!p0 $0x0  }
.LBB2_1:
0x22: {  	s0 =	rddreg [dreg:$0x4]  }
0x23: {  	[tilespmem:s3], [sflag:$0x3] =	stream.linear.gather [hbm4b:s0+s3], $0x280, $0x38;
	[tilespmem:$0x12280] =	vst v63  }
0x24: {  	_ =	swait.ge [sflag:s7], $0x280  }
0x25: {  	[sflag:s7] =	ssyncset.done $0x0  }
0x26: {  	[sflag:s7] =	ssyncadd.s32 $0xFFFFFD80  }
0x27: {  	v3 =	vld [tilespmem:s5+$0x0];
	_ =	sdelay $0x4  }
0x28: {  	v4 =	vshll.u32 v3, $0x1  }
0x29: {  	v3 =	vand.u32 $0x7, v3;
	v4 =	vand.u32 $0xFFFFFFF0, v4  }
0x2a: {  	v3 =	vor.u32 v3, v4  }
0x2b: {  	v4 =	vperm.xlane v3, v0;
	_ =	sdelay $0x1  }
0x2c: {  	v3 =	vperm.xlane v3, v2;
	v4 =	vadd.s32 v1, v4;
	_ =	sdelay $0x1  }
0x2d: {  	v3 =	vadd.s32 v1, v3;
	_ =	sdelay $0x2  }
0x2e: {  	[tilespmem:s8], [sflag:$0x1] =	stream.indirect_vreg.gather [hbm4b:s2+s3], $0x80, v4, vm0, $0xb8;
	[tilespmem:$0x12280] =	vst v63  }
0x2f: {  	s10 =	rddreg [dreg:$0x8]  }
0x30: {  	[tilespmem:s10], [sflag:$0x1] =	stream.indirect_vreg.gather [hbm4b:s2+s3], $0x80, v3, vm0, $0xb8;
	[tilespmem:$0x12280] =	vst v63  }
0x31: {  	v3 =	vld [tilespmem:s5+$0x10];
	_ =	sdelay $0x4  }
0x32: {  	v47 =	vshll.u32 v3, $0x1  }
0x33: {  	v3 =	vand.u32 $0x7, v3;
	v4 =	vand.u32 $0xFFFFFFF0, v47  }
0x34: {  	v3 =	vor.u32 v3, v4  }
0x35: {  	v4 =	vperm.xlane v3, v0;
	_ =	sdelay $0x1  }
0x36: {  	v3 =	vperm.xlane v3, v2;
	v4 =	vadd.s32 v1, v4;
	_ =	sdelay $0x1  }
0x37: {  	v3 =	vadd.s32 v1, v3;
	_ =	sdelay $0x1  }
0x38: {  	s0 =	rddreg [dreg:$0x9]  }
0x39: {  	[tilespmem:s0], [sflag:$0x1] =	stream.indirect_vreg.gather [hbm4b:s2+s3], $0x80, v4, vm0, $0xb8;
	[tilespmem:$0x12280] =	vst v63  }
0x3a: {  	s10 =	rddreg [dreg:$0xa]  }
0x3b: {  	[tilespmem:s10], [sflag:$0x1] =	stream.indirect_vreg.gather [hbm4b:s2+s3], $0x80, v3, vm0, $0xb8;
	[tilespmem:$0x12280] =	vst v63  }
0x3c: {  	v3 =	vld [tilespmem:s5+$0x20];
	_ =	sdelay $0x4  }
0x3d: {  	v48 =	vshll.u32 v3, $0x1  }
0x3e: {  	v3 =	vand.u32 $0x7, v3;
	v4 =	vand.u32 $0xFFFFFFF0, v48  }
0x3f: {  	v3 =	vor.u32 v3, v4  }
0x40: {  	v4 =	vperm.xlane v3, v0;
	_ =	sdelay $0x1  }
0x41: {  	v3 =	vperm.xlane v3, v2;
	v4 =	vadd.s32 v1, v4;
	_ =	sdelay $0x1  }
0x42: {  	v3 =	vadd.s32 v1, v3;
	_ =	sdelay $0x1  }
0x43: {  	s0 =	rddreg [dreg:$0xb]  }
0x44: {  	[tilespmem:s0], [sflag:$0x1] =	stream.indirect_vreg.gather [hbm4b:s2+s3], $0x80, v4, vm0, $0xb8;
	[tilespmem:$0x12280] =	vst v63  }
0x45: {  	s10 =	rddreg [dreg:$0xc]  }
0x46: {  	[tilespmem:s10], [sflag:$0x1] =	stream.indirect_vreg.gather [hbm4b:s2+s3], $0x80, v3, vm0, $0xb8;
	[tilespmem:$0x12280] =	vst v63  }
0x47: {  	v3 =	vld [tilespmem:s5+$0x30];
	_ =	sdelay $0x4  }
0x48: {  	v49 =	vshll.u32 v3, $0x1  }
0x49: {  	v3 =	vand.u32 $0x7, v3;
	v4 =	vand.u32 $0xFFFFFFF0, v49  }
0x4a: {  	v3 =	vor.u32 v3, v4  }
0x4b: {  	v4 =	vperm.xlane v3, v0;
	_ =	sdelay $0x1  }
0x4c: {  	v3 =	vperm.xlane v3, v2;
	v4 =	vadd.s32 v1, v4;
	_ =	sdelay $0x1  }
0x4d: {  	v3 =	vadd.s32 v1, v3;
	_ =	sdelay $0x1  }
0x4e: {  	s0 =	rddreg [dreg:$0xd]  }
0x4f: {  	[tilespmem:s0], [sflag:$0x1] =	stream.indirect_vreg.gather [hbm4b:s2+s3], $0x80, v4, vm0, $0xb8;
	[tilespmem:$0x12280] =	vst v63  }
0x50: {  	s10 =	rddreg [dreg:$0xe]  }
0x51: {  	[tilespmem:s10], [sflag:$0x1] =	stream.indirect_vreg.gather [hbm4b:s2+s3], $0x80, v3, vm0, $0xb8;
	[tilespmem:$0x12280] =	vst v63  }
0x52: {  	v3 =	vld [tilespmem:s5+$0x40];
	_ =	sdelay $0x4  }
0x53: {  	v50 =	vshll.u32 v3, $0x1  }
0x54: {  	v3 =	vand.u32 $0x7, v3;
	v4 =	vand.u32 $0xFFFFFFF0, v50  }
0x55: {  	v3 =	vor.u32 v3, v4  }
0x56: {  	v4 =	vperm.xlane v3, v0;
	_ =	sdelay $0x1  }
0x57: {  	v3 =	vperm.xlane v3, v2;
	v4 =	vadd.s32 v1, v4;
	_ =	sdelay $0x1  }
0x58: {  	v3 =	vadd.s32 v1, v3;
	_ =	sdelay $0x1  }
0x59: {  	s0 =	rddreg [dreg:$0xf]  }
0x5a: {  	[tilespmem:s0], [sflag:$0x1] =	stream.indirect_vreg.gather [hbm4b:s2+s3], $0x80, v4, vm0, $0xb8;
	[tilespmem:$0x12280] =	vst v63  }
0x5b: {  	s10 =	rddreg [dreg:$0x10]  }
0x5c: {  	[tilespmem:s10], [sflag:$0x1] =	stream.indirect_vreg.gather [hbm4b:s2+s3], $0x80, v3, vm0, $0xb8;
	[tilespmem:$0x12280] =	vst v63  }
0x5d: {  	v3 =	vld [tilespmem:s5+$0x50];
	_ =	sdelay $0x4  }
0x5e: {  	v51 =	vshll.u32 v3, $0x1  }
0x5f: {  	v3 =	vand.u32 $0x7, v3;
	v4 =	vand.u32 $0xFFFFFFF0, v51  }
0x60: {  	v3 =	vor.u32 v3, v4  }
0x61: {  	v4 =	vperm.xlane v3, v0;
	_ =	sdelay $0x1  }
0x62: {  	v3 =	vperm.xlane v3, v2;
	v4 =	vadd.s32 v1, v4;
	_ =	sdelay $0x1  }
0x63: {  	v3 =	vadd.s32 v1, v3;
	_ =	sdelay $0x1  }
0x64: {  	s0 =	rddreg [dreg:$0x11]  }
0x65: {  	[tilespmem:s0], [sflag:$0x1] =	stream.indirect_vreg.gather [hbm4b:s2+s3], $0x80, v4, vm0, $0xb8;
	[tilespmem:$0x12280] =	vst v63  }
0x66: {  	s10 =	rddreg [dreg:$0x12]  }
0x67: {  	[tilespmem:s10], [sflag:$0x1] =	stream.indirect_vreg.gather [hbm4b:s2+s3], $0x80, v3, vm0, $0xb8;
	[tilespmem:$0x12280] =	vst v63  }
0x68: {  	v3 =	vld [tilespmem:s5+$0x60];
	_ =	sdelay $0x4  }
0x69: {  	v52 =	vshll.u32 v3, $0x1  }
0x6a: {  	v3 =	vand.u32 $0x7, v3;
	v4 =	vand.u32 $0xFFFFFFF0, v52  }
0x6b: {  	v3 =	vor.u32 v3, v4  }
0x6c: {  	v4 =	vperm.xlane v3, v0;
	_ =	sdelay $0x1  }
0x6d: {  	v3 =	vperm.xlane v3, v2;
	v4 =	vadd.s32 v1, v4;
	_ =	sdelay $0x1  }
0x6e: {  	v3 =	vadd.s32 v1, v3;
	_ =	sdelay $0x2  }
0x6f: {  	[tilespmem:s9], [sflag:$0x1] =	stream.indirect_vreg.gather [hbm4b:s2+s3], $0x80, v4, vm0, $0xb8;
	[tilespmem:$0x12280] =	vst v63  }
0x70: {  	s10 =	rddreg [dreg:$0x13]  }
0x71: {  	[tilespmem:s10], [sflag:$0x1] =	stream.indirect_vreg.gather [hbm4b:s2+s3], $0x80, v3, vm0, $0xb8;
	[tilespmem:$0x12280] =	vst v63  }
0x72: {  	v3 =	vld [tilespmem:s5+$0x70];
	_ =	sdelay $0x4  }
0x73: {  	v53 =	vshll.u32 v3, $0x1  }
0x74: {  	v3 =	vand.u32 $0x7, v3;
	v4 =	vand.u32 $0xFFFFFFF0, v53  }
0x75: {  	v3 =	vor.u32 v3, v4  }
0x76: {  	v4 =	vperm.xlane v3, v0;
	_ =	sdelay $0x1  }
0x77: {  	v3 =	vperm.xlane v3, v2;
	v4 =	vadd.s32 v1, v4;
	_ =	sdelay $0x1  }
0x78: {  	v3 =	vadd.s32 v1, v3;
	_ =	sdelay $0x1  }
0x79: {  	s10 =	rddreg [dreg:$0x14]  }
0x7a: {  	[tilespmem:s10], [sflag:$0x1] =	stream.indirect_vreg.gather [hbm4b:s2+s3], $0x80, v4, vm0, $0xb8;
	[tilespmem:$0x12280] =	vst v63  }
0x7b: {  	s10 =	simm.s32 $0x7A80  }
0x7c: {  	[tilespmem:s10], [sflag:$0x1] =	stream.indirect_vreg.gather [hbm4b:s2+s3], $0x80, v3, vm0, $0xb8;
	[tilespmem:$0x12280] =	vst v63  }
0x7d: {  	v3 =	vld [tilespmem:s5+$0x80];
	_ =	sdelay $0x4  }
0x7e: {  	v54 =	vshll.u32 v3, $0x1  }
0x7f: {  	v3 =	vand.u32 $0x7, v3;
	v4 =	vand.u32 $0xFFFFFFF0, v54  }
0x80: {  	v3 =	vor.u32 v3, v4  }
0x81: {  	v4 =	vperm.xlane v3, v0;
	_ =	sdelay $0x1  }
0x82: {  	v3 =	vperm.xlane v3, v2;
	v4 =	vadd.s32 v1, v4;
	_ =	sdelay $0x1  }
0x83: {  	v3 =	vadd.s32 v1, v3;
	_ =	sdelay $0x2  }
0x84: {  	[tilespmem:s11], [sflag:$0x1] =	stream.indirect_vreg.gather [hbm4b:s2+s3], $0x80, v4, vm0, $0xb8;
	[tilespmem:$0x12280] =	vst v63  }
0x85: {  	_ = 	snop  }
0x86: {  	[tilespmem:s12], [sflag:$0x1] =	stream.indirect_vreg.gather [hbm4b:s2+s3], $0x80, v3, vm0, $0xb8;
	[tilespmem:$0x12280] =	vst v63  }
0x87: {  	v3 =	vld [tilespmem:s5+$0x90];
	_ =	sdelay $0x4  }
0x88: {  	v55 =	vshll.u32 v3, $0x1  }
0x89: {  	v3 =	vand.u32 $0x7, v3;
	v4 =	vand.u32 $0xFFFFFFF0, v55  }
0x8a: {  	v3 =	vor.u32 v3, v4  }
0x8b: {  	v4 =	vperm.xlane v3, v0;
	_ =	sdelay $0x1  }
0x8c: {  	v3 =	vperm.xlane v3, v2;
	v4 =	vadd.s32 v1, v4;
	_ =	sdelay $0x1  }
0x8d: {  	v3 =	vadd.s32 v1, v3;
	_ =	sdelay $0x2  }
0x8e: {  	[tilespmem:s13], [sflag:$0x1] =	stream.indirect_vreg.gather [hbm4b:s2+s3], $0x80, v4, vm0, $0xb8;
	[tilespmem:$0x12280] =	vst v63  }
0x8f: {  	_ = 	snop  }
0x90: {  	[tilespmem:s14], [sflag:$0x1] =	stream.indirect_vreg.gather [hbm4b:s2+s3], $0x80, v3, vm0, $0xb8;
	[tilespmem:$0x12280] =	vst v63  }
0x91: {  	v3 =	vld [tilespmem:s5+$0xA0];
	_ =	sdelay $0x4  }
0x92: {  	v56 =	vshll.u32 v3, $0x1  }
0x93: {  	v3 =	vand.u32 $0x7, v3;
	v4 =	vand.u32 $0xFFFFFFF0, v56  }
0x94: {  	v3 =	vor.u32 v3, v4  }
0x95: {  	v4 =	vperm.xlane v3, v0;
	_ =	sdelay $0x1  }
0x96: {  	v3 =	vperm.xlane v3, v2;
	v4 =	vadd.s32 v1, v4;
	_ =	sdelay $0x1  }
0x97: {  	v3 =	vadd.s32 v1, v3;
	_ =	sdelay $0x2  }
0x98: {  	[tilespmem:s15], [sflag:$0x1] =	stream.indirect_vreg.gather [hbm4b:s2+s3], $0x80, v4, vm0, $0xb8;
	[tilespmem:$0x12280] =	vst v63  }
0x99: {  	_ = 	snop  }
0x9a: {  	[tilespmem:s16], [sflag:$0x1] =	stream.indirect_vreg.gather [hbm4b:s2+s3], $0x80, v3, vm0, $0xb8;
	[tilespmem:$0x12280] =	vst v63  }
0x9b: {  	v3 =	vld [tilespmem:s5+$0xB0];
	_ =	sdelay $0x4  }
0x9c: {  	v57 =	vshll.u32 v3, $0x1  }
0x9d: {  	v3 =	vand.u32 $0x7, v3;
	v4 =	vand.u32 $0xFFFFFFF0, v57  }
0x9e: {  	v3 =	vor.u32 v3, v4  }
0x9f: {  	v4 =	vperm.xlane v3, v0;
	_ =	sdelay $0x1  }
0xa0: {  	v3 =	vperm.xlane v3, v2;
	v4 =	vadd.s32 v1, v4;
	_ =	sdelay $0x1  }
0xa1: {  	v3 =	vadd.s32 v1, v3;
	_ =	sdelay $0x2  }
0xa2: {  	[tilespmem:s17], [sflag:$0x1] =	stream.indirect_vreg.gather [hbm4b:s2+s3], $0x80, v4, vm0, $0xb8;
	[tilespmem:$0x12280] =	vst v63  }
0xa3: {  	_ = 	snop  }
0xa4: {  	[tilespmem:s18], [sflag:$0x1] =	stream.indirect_vreg.gather [hbm4b:s2+s3], $0x80, v3, vm0, $0xb8;
	[tilespmem:$0x12280] =	vst v63  }
0xa5: {  	v3 =	vld [tilespmem:s5+$0xC0];
	_ =	sdelay $0x4  }
0xa6: {  	v58 =	vshll.u32 v3, $0x1  }
0xa7: {  	v3 =	vand.u32 $0x7, v3;
	v4 =	vand.u32 $0xFFFFFFF0, v58  }
0xa8: {  	v3 =	vor.u32 v3, v4  }
0xa9: {  	v4 =	vperm.xlane v3, v0;
	_ =	sdelay $0x1  }
0xaa: {  	v3 =	vperm.xlane v3, v2;
	v4 =	vadd.s32 v1, v4;
	_ =	sdelay $0x1  }
0xab: {  	v3 =	vadd.s32 v1, v3;
	_ =	sdelay $0x2  }
0xac: {  	[tilespmem:s19], [sflag:$0x1] =	stream.indirect_vreg.gather [hbm4b:s2+s3], $0x80, v4, vm0, $0xb8;
	[tilespmem:$0x12280] =	vst v63  }
0xad: {  	_ = 	snop  }
0xae: {  	[tilespmem:s20], [sflag:$0x1] =	stream.indirect_vreg.gather [hbm4b:s2+s3], $0x80, v3, vm0, $0xb8;
	[tilespmem:$0x12280] =	vst v63  }
0xaf: {  	v3 =	vld [tilespmem:s5+$0xD0];
	_ =	sdelay $0x4  }
0xb0: {  	v59 =	vshll.u32 v3, $0x1  }
0xb1: {  	v3 =	vand.u32 $0x7, v3;
	v4 =	vand.u32 $0xFFFFFFF0, v59  }
0xb2: {  	v3 =	vor.u32 v3, v4  }
0xb3: {  	v4 =	vperm.xlane v3, v0;
	_ =	sdelay $0x1  }
0xb4: {  	v3 =	vperm.xlane v3, v2;
	v4 =	vadd.s32 v1, v4;
	_ =	sdelay $0x1  }
0xb5: {  	v3 =	vadd.s32 v1, v3;
	_ =	sdelay $0x2  }
0xb6: {  	[tilespmem:s21], [sflag:$0x1] =	stream.indirect_vreg.gather [hbm4b:s2+s3], $0x80, v4, vm0, $0xb8;
	[tilespmem:$0x12280] =	vst v63  }
0xb7: {  	_ = 	snop  }
0xb8: {  	[tilespmem:s22], [sflag:$0x1] =	stream.indirect_vreg.gather [hbm4b:s2+s3], $0x80, v3, vm0, $0xb8;
	[tilespmem:$0x12280] =	vst v63  }
0xb9: {  	v3 =	vld [tilespmem:s5+$0xE0];
	_ =	sdelay $0x4  }
0xba: {  	v60 =	vshll.u32 v3, $0x1  }
0xbb: {  	v3 =	vand.u32 $0x7, v3;
	v4 =	vand.u32 $0xFFFFFFF0, v60  }
0xbc: {  	v3 =	vor.u32 v3, v4  }
0xbd: {  	v4 =	vperm.xlane v3, v0;
	_ =	sdelay $0x1  }
0xbe: {  	v3 =	vperm.xlane v3, v2;
	v4 =	vadd.s32 v1, v4;
	_ =	sdelay $0x1  }
0xbf: {  	v3 =	vadd.s32 v1, v3;
	_ =	sdelay $0x2  }
0xc0: {  	[tilespmem:s23], [sflag:$0x1] =	stream.indirect_vreg.gather [hbm4b:s2+s3], $0x80, v4, vm0, $0xb8;
	[tilespmem:$0x12280] =	vst v63  }
0xc1: {  	_ = 	snop  }
0xc2: {  	[tilespmem:s24], [sflag:$0x1] =	stream.indirect_vreg.gather [hbm4b:s2+s3], $0x80, v3, vm0, $0xb8;
	[tilespmem:$0x12280] =	vst v63  }
0xc3: {  	v3 =	vld [tilespmem:s5+$0xF0];
	_ =	sdelay $0x4  }
0xc4: {  	v61 =	vshll.u32 v3, $0x1  }
0xc5: {  	v3 =	vand.u32 $0x7, v3;
	v4 =	vand.u32 $0xFFFFFFF0, v61  }
0xc6: {  	v3 =	vor.u32 v3, v4  }
0xc7: {  	v4 =	vperm.xlane v3, v0;
	_ =	sdelay $0x1  }
0xc8: {  	v3 =	vperm.xlane v3, v2;
	v4 =	vadd.s32 v1, v4;
	_ =	sdelay $0x1  }
0xc9: {  	v3 =	vadd.s32 v1, v3;
	_ =	sdelay $0x2  }
0xca: {  	[tilespmem:s25], [sflag:$0x1] =	stream.indirect_vreg.gather [hbm4b:s2+s3], $0x80, v4, vm0, $0xb8;
	[tilespmem:$0x12280] =	vst v63  }
0xcb: {  	_ = 	snop  }
0xcc: {  	[tilespmem:s26], [sflag:$0x1] =	stream.indirect_vreg.gather [hbm4b:s2+s3], $0x80, v3, vm0, $0xb8;
	[tilespmem:$0x12280] =	vst v63  }
0xcd: {  	v3 =	vld [tilespmem:s5+$0x100];
	_ =	sdelay $0x4  }
0xce: {  	v62 =	vshll.u32 v3, $0x1  }
0xcf: {  	v3 =	vand.u32 $0x7, v3;
	v4 =	vand.u32 $0xFFFFFFF0, v62  }
0xd0: {  	v3 =	vor.u32 v3, v4  }
0xd1: {  	v4 =	vperm.xlane v3, v0;
	_ =	sdelay $0x1  }
0xd2: {  	v3 =	vperm.xlane v3, v2;
	v4 =	vadd.s32 v1, v4;
	_ =	sdelay $0x1  }
0xd3: {  	v3 =	vadd.s32 v1, v3;
	_ =	sdelay $0x2  }
0xd4: {  	[tilespmem:s28], [sflag:$0x1] =	stream.indirect_vreg.gather [hbm4b:s2+s3], $0x80, v4, vm0, $0xb8;
	[tilespmem:$0x12280] =	vst v63  }
0xd5: {  	_ = 	snop  }
0xd6: {  	[tilespmem:s29], [sflag:$0x1] =	stream.indirect_vreg.gather [hbm4b:s2+s3], $0x80, v3, vm0, $0xb8;
	[tilespmem:$0x12280] =	vst v63  }
0xd7: {  	v3 =	vld [tilespmem:s5+$0x110];
	_ =	sdelay $0x4  }
0xd8: {  	v63 =	vshll.u32 v3, $0x1  }
0xd9: {  	v3 =	vand.u32 $0x7, v3;
	v4 =	vand.u32 $0xFFFFFFF0, v63  }
0xda: {  	v3 =	vor.u32 v3, v4  }
0xdb: {  	v4 =	vperm.xlane v3, v0;
	_ =	sdelay $0x1  }
0xdc: {  	v3 =	vperm.xlane v3, v2;
	v4 =	vadd.s32 v1, v4;
	_ =	sdelay $0x1  }
0xdd: {  	v3 =	vadd.s32 v1, v3;
	_ =	sdelay $0x2  }
0xde: {  	[tilespmem:s30], [sflag:$0x1] =	stream.indirect_vreg.gather [hbm4b:s2+s3], $0x80, v4, vm0, $0xb8;
	[tilespmem:$0x12280] =	vst v63  }
0xdf: {  	_ = 	snop  }
0xe0: {  	[tilespmem:s31], [sflag:$0x1] =	stream.indirect_vreg.gather [hbm4b:s2+s3], $0x80, v3, vm0, $0xb8;
	[tilespmem:$0x12280] =	vst v63  }
0xe1: {  	_ =	swait.ge [sflag:s4], $0x6000  }
0xe2: {  	[sflag:s4] =	ssyncset.done $0x0  }
0xe3: {  	s10 =	rddreg [dreg:$0x5];
	[sflag:s4] =	ssyncadd.s32 $0xFFFFA000  }
0xe4: {  	[hbm4b:s10+s3] =	stream.linear.scatter [tilespmem:s8], [sflag:$0x2], $0x6000, $0x38;
	[tilespmem:$0x12280] =	vst v63  }
0xe5: {  	_ =	swait.ge [sflag:s4], $0x6000  }
0xe6: {  	[sflag:s4] =	ssyncset.done $0x0  }
0xe7: {  	s10 =	rddreg [dreg:$0x6];
	[sflag:s4] =	ssyncadd.s32 $0xFFFFA000  }
0xe8: {  	[hbm4b:s10+s3] =	stream.linear.scatter [tilespmem:s9], [sflag:$0x2], $0x6000, $0x38;
	[tilespmem:$0x12280] =	vst v63  }
0xe9: {  	_ =	swait.ge [sflag:s4], $0x6000  }
0xea: {  	[sflag:s4] =	ssyncset.done $0x0  }
0xeb: {  	s10 =	rddreg [dreg:$0x7];
	[sflag:s4] =	ssyncadd.s32 $0xFFFFA000  }
0xec: {  	[hbm4b:s10+s3] =	stream.linear.scatter [tilespmem:s19], [sflag:$0x2], $0x6000, $0x38;
	[tilespmem:$0x12280] =	vst v63  }
0xed: {  	_ =	swait.ge [sflag:s1], $0x6000  }
0xee: {  	[sflag:s1] =	ssyncset.done $0x0  }
0xef: {  	[sflag:s1] =	ssyncadd.s32 $0xFFFFA000  }
0xf0: {  	p0 =	sne.s32 s6, $0x1;
	_ =	swait.ge [sflag:s1], $0x6000  }
.Ltmp0:
0xf1: {  	[sflag:s1] =	ssyncset.done $0x0;
	(pc) =	sbr.rel @p0 .LBB2_1-.Ltmp0, $4  }
0xf2: {  	[sflag:s1] =	ssyncadd.s32 $0xFFFFA000  }
0xf3: {  	_ =	swait.ge [sflag:s1], $0x6000  }
0xf4: {  	[sflag:s1] =	ssyncset.done $0x0  }
0xf5: {  	s6 =	sadd.s32 $0xFFFFFFFF, s6;
	[sflag:s1] =	ssyncadd.s32 $0xFFFFA000  }
0xf6: {  	_ =	sfence.sel $0x180000  }
0xf7: {  	[bflag:$0x0] =	sbarrier.arrive $0xFFFF  }
0xf8: {  	_ =	strace $0x90000047  }
0xf9: {  	s0 =	stileid.u32;
	[bflag:$0x2] =	sbarrier.arrive $0xFFFF  }
0xfa: {  	p0 =	sne.s32 s0, $0x0;
	s0 =	rddreg [dreg:$0x3]  }
0xfb: {  	s0 =	sadd.s32 @!p0 $0x100000, s0  }
0xfc: {  	[sflag:s0] =	ssyncadd.tile.s32 @!p0 $0x1;
	_ =	shalt  }
.Lfunc_end2:
_tile_overlayer_lowered:
.L_overlay_start_2:
0xfd: {  	(tag) =	ssettag $0x2  }
0xfe: {  	s0 =	rddreg [dreg:$0x0];
	s2 =	stileid.u32  }
0xff: {  	s1 =	rddreg [dreg:$0x1];
	p0 =	sne.s32 s2, $0x0  }
0x100: {  	s3 =	rddreg [dreg:$0x2];
	[bflag:$0x3] =	sbarrier.arrive $0xFFFF;
	s2 =	simm.s32 @!p0 $0x1C03  }
0x101: {  	[timem:s3], [sflag:s2] =	dma.local @!p0 [hbm:s0], s1  }
0x102: {  	s0 =	simm.s32 @!p0 $0x3  }
0x103: {  	_ =	swait.ge @!p0 [sflag:s0], s1  }
0x104: {  	s1 =	ssub.s32 @!p0 $0x0, s1;
	[sflag:s0] =	ssyncset.done @!p0 $0x0  }
0x105: {  	[sflag:s0] =	ssyncadd.s32 @!p0 s1  }
0x106: {  	[bflag:$0x3] =	sbarrier.arrive $0xFFFF  }
0x107: {  	_ =	shalt  }

</sc_bundles>
